<compile_context>
chip_gen: v7x
topology: tpu7x:2x2x1
jax: 0.10.2.dev20260603
libtpu: 0.0.44.dev20260713+nightly
codegen_flags: <defaults>
</compile_context>

<pallas_src>
import functools

import jax
import jax.numpy as jnp
from jax import lax
from jax.experimental import pallas as pl
from jax.experimental.pallas import tpu as pltpu
from jax.experimental.pallas import tpu_sc as plsc

F32 = jnp.float32
D = 128



def _tc1_body(x_ref, w_ref, oa_ref, ob_ref):
    y = jnp.dot(x_ref[...], w_ref[...], preferred_element_type=F32)
    oa_ref[...] = y[:, :D]
    ob_ref[...] = y[:, D:]


def _fuse1_body(ma_ref, mb_ref, ya_ref, yb_ref, dp_ref, b1_ref, ws_ref,
                wn_ref, s2_ref, p2_ref):
    m = jnp.concatenate([ma_ref[0] + ma_ref[1], mb_ref[0] + mb_ref[1]], axis=1)
    y = jnp.concatenate([ya_ref[...], yb_ref[...]], axis=1)
    deg = dp_ref[0, :, 0:1] + dp_ref[1, :, 0:1]
    r = 1.0 / (deg + 1.0)
    h1 = jnp.maximum((m + y) * r + b1_ref[...], 0.0)
    s2_ref[...] = jnp.dot(h1, ws_ref[...], preferred_element_type=F32)
    p2_ref[...] = jnp.dot(h1, wn_ref[...], preferred_element_type=F32)


def _fuse2_body(s2_ref, mp_ref, dp_ref, b2_ref, h2_ref):
    deg = dp_ref[0, :, 0:1] + dp_ref[1, :, 0:1]
    r = 1.0 / jnp.maximum(deg, 1.0)
    agg = (mp_ref[0] + mp_ref[1]) * r
    h2_ref[...] = jnp.maximum(s2_ref[...] + agg + b2_ref[...], 0.0)


def _fuse3_body(h2_ref, mp_ref, dp_ref, ws_ref, wn_ref, b3_ref, o_ref):
    deg = dp_ref[0, :, 0:1] + dp_ref[1, :, 0:1]
    r = 1.0 / jnp.maximum(deg, 1.0)
    agg = (mp_ref[0] + mp_ref[1]) * r
    o_ref[...] = (jnp.dot(h2_ref[...], ws_ref[...], preferred_element_type=F32)
                  + jnp.dot(agg, wn_ref[...], preferred_element_type=F32)
                  + b3_ref[...])



def _make_scseg(NP, NCH, CK):
    ROWS = NP // 16
    mesh = plsc.VectorSubcoreMesh(core_axis_name="c", subcore_axis_name="s")

    @functools.partial(
        pl.kernel,
        out_type=jax.ShapeDtypeStruct((2, NP, D), F32),
        mesh=mesh,
        scratch_types=[
            pltpu.VMEM((NCH, CK), jnp.int32),
            pltpu.VMEM((NCH, CK), jnp.int32),
            pltpu.VMEM((CK, D), F32),
            pltpu.VMEM_SHARED((NP, D), F32),
            pltpu.SemaphoreType.DMA,
        ],
    )
    def sck(src_hbm, dst_hbm, tab_hbm, z_hbm, out_hbm,
            src_v, dst_v, rows_v, acc, sem):
        c = lax.axis_index("c")
        s = lax.axis_index("s")
        w = s * 2 + c
        pltpu.sync_copy(src_hbm.at[w], src_v)
        pltpu.sync_copy(dst_hbm.at[w], dst_v)
        pltpu.sync_copy(z_hbm.at[pl.ds(s * ROWS, ROWS)],
                        acc.at[pl.ds(s * ROWS, ROWS)])
        plsc.subcore_barrier()

        def chunk(j, carry):
            pltpu.async_copy(tab_hbm.at[src_v.at[j]], rows_v, sem).wait()
            pltpu.sync_copy(rows_v, acc.at[dst_v.at[j]], add=True)
            return carry

        lax.fori_loop(0, NCH, chunk, 0)
        plsc.subcore_barrier()
        pltpu.sync_copy(acc.at[pl.ds(s * ROWS, ROWS)],
                        out_hbm.at[c].at[pl.ds(s * ROWS, ROWS)])

    return sck



def kernel(x, edge_index, W1n, b1, W2s, W2n, b2, W3s, W3n, b3):
    N, DIN = x.shape
    H1 = W1n.shape[1]
    H2 = W2s.shape[1]
    C = W3s.shape[1]
    E = edge_index.shape[1]

    BN = 512
    NP = ((N + BN - 1) // BN) * BN
    G = NP // BN
    CK = 80
    EP = ((E + 32 * CK - 1) // (32 * CK)) * (32 * CK)
    NCH = EP // 32 // CK

    pad = EP - E
    srcp = jnp.concatenate([edge_index[0], jnp.zeros((pad,), jnp.int32)])
    dstp = jnp.concatenate([edge_index[1], jnp.full((pad,), NP - 1, jnp.int32)])
    src32 = srcp.reshape(32, NCH, CK)
    dst32 = dstp.reshape(32, NCH, CK)
    ones_tab = jnp.ones((NP, D), F32)
    zeros = jnp.zeros((NP, D), F32)

    b1r = b1.reshape(1, H1)
    b3r = b3.reshape(1, C)
    W2s_p = jnp.pad(W2s, ((0, 0), (0, D - H2)))
    W2n_p = jnp.pad(W2n, ((0, 0), (0, D - H2)))
    b2r = jnp.pad(b2, (0, D - H2)).reshape(1, D)
    W3s_p = jnp.pad(W3s, ((0, D - H2), (0, 0)))
    W3n_p = jnp.pad(W3n, ((0, D - H2), (0, 0)))

    y1a, y1b = pl.pallas_call(
        _tc1_body,
        grid=(G,),
        in_specs=[pl.BlockSpec((BN, DIN), lambda i: (i, 0)),
                  pl.BlockSpec((DIN, H1), lambda i: (0, 0))],
        out_specs=[pl.BlockSpec((BN, D), lambda i: (i, 0)),
                   pl.BlockSpec((BN, D), lambda i: (i, 0))],
        out_shape=[jax.ShapeDtypeStruct((NP, D), F32),
                   jax.ShapeDtypeStruct((NP, D), F32)],
    )(x, W1n)

    scseg = _make_scseg(NP, NCH, CK)
    degp = scseg(src32, dst32, ones_tab, zeros)
    m1a = scseg(src32, dst32, y1a, zeros)
    m1b = scseg(src32, dst32, y1b, zeros)

    s2, p2 = pl.pallas_call(
        _fuse1_body,
        grid=(G,),
        in_specs=[pl.BlockSpec((2, BN, D), lambda i: (0, i, 0)),
                  pl.BlockSpec((2, BN, D), lambda i: (0, i, 0)),
                  pl.BlockSpec((BN, D), lambda i: (i, 0)),
                  pl.BlockSpec((BN, D), lambda i: (i, 0)),
                  pl.BlockSpec((2, BN, D), lambda i: (0, i, 0)),
                  pl.BlockSpec((1, H1), lambda i: (0, 0)),
                  pl.BlockSpec((H1, D), lambda i: (0, 0)),
                  pl.BlockSpec((H1, D), lambda i: (0, 0))],
        out_specs=[pl.BlockSpec((BN, D), lambda i: (i, 0)),
                   pl.BlockSpec((BN, D), lambda i: (i, 0))],
        out_shape=[jax.ShapeDtypeStruct((NP, D), F32),
                   jax.ShapeDtypeStruct((NP, D), F32)],
    )(m1a, m1b, y1a, y1b, degp, b1r, W2s_p, W2n_p)

    m2 = scseg(src32, dst32, p2, zeros)

    h2 = pl.pallas_call(
        _fuse2_body,
        grid=(G,),
        in_specs=[pl.BlockSpec((BN, D), lambda i: (i, 0)),
                  pl.BlockSpec((2, BN, D), lambda i: (0, i, 0)),
                  pl.BlockSpec((2, BN, D), lambda i: (0, i, 0)),
                  pl.BlockSpec((1, D), lambda i: (0, 0))],
        out_specs=pl.BlockSpec((BN, D), lambda i: (i, 0)),
        out_shape=jax.ShapeDtypeStruct((NP, D), F32),
    )(s2, m2, degp, b2r)

    m3 = scseg(src32, dst32, h2, zeros)

    out = pl.pallas_call(
        _fuse3_body,
        grid=(G,),
        in_specs=[pl.BlockSpec((BN, D), lambda i: (i, 0)),
                  pl.BlockSpec((2, BN, D), lambda i: (0, i, 0)),
                  pl.BlockSpec((2, BN, D), lambda i: (0, i, 0)),
                  pl.BlockSpec((D, C), lambda i: (0, 0)),
                  pl.BlockSpec((D, C), lambda i: (0, 0)),
                  pl.BlockSpec((1, C), lambda i: (0, 0))],
        out_specs=pl.BlockSpec((BN, C), lambda i: (i, 0)),
        out_shape=jax.ShapeDtypeStruct((N, C), F32),
    )(h2, m3, degp, W3s_p, W3n_p, b3r)

    return out

# --- scband reference (transcript-rebuilt; emitter-appended) ---
"""Pipeline reference for scband-sage-26525718020489 (READ-ONLY COPY).

The authoritative reference and input builder live on the scoring server;
editing this copy changes nothing except your own understanding.
"""

import jax, jax.numpy as jnp
import numpy as np

N, E, DIN, H1, H2, C = 10000, 160000, 256, 256, 40, 64

def setup_inputs(seed: int = 0):
    key = jax.random.key(seed)
    ks = jax.random.split(key, 10)
    x = jax.random.normal(ks[0], (N, DIN), dtype=jnp.float32)
    edge_index = jax.random.randint(ks[1], (2, E), 0, N, dtype=jnp.int32)
    W1n = jax.random.normal(ks[2], (DIN, H1), dtype=jnp.float32) / np.sqrt(DIN)
    b1 = jnp.zeros((H1,), dtype=jnp.float32)
    W2s = jax.random.normal(ks[3], (H1, H2), dtype=jnp.float32) / np.sqrt(H1)
    W2n = jax.random.normal(ks[4], (H1, H2), dtype=jnp.float32) / np.sqrt(H1)
    b2 = jnp.zeros((H2,), dtype=jnp.float32)
    W3s = jax.random.normal(ks[5], (H2, C), dtype=jnp.float32) / np.sqrt(H2)
    W3n = jax.random.normal(ks[6], (H2, C), dtype=jnp.float32) / np.sqrt(H2)
    b3 = jnp.zeros((C,), dtype=jnp.float32)
    return {"x": x, "edge_index": edge_index, "W1n": W1n, "b1": b1,
            "W2s": W2s, "W2n": W2n, "b2": b2,
            "W3s": W3s, "W3n": W3n, "b3": b3}

def _deg(dst):
    return jax.ops.segment_sum(jnp.ones((E,), jnp.float32), dst, num_segments=N)

def _sage_gcn(x, src, dst, Wn, b):
    # DGL SAGEConv aggregator_type='gcn': h = ((sum_neigh + self) / (deg + 1)) @ W_neigh + b (no fc_self)
    msg = jax.ops.segment_sum(x[src], dst, num_segments=N)
    deg = _deg(dst)
    agg = (msg + x) / (deg[:, None] + 1.0)
    return agg @ Wn + b

def _sage_mean(x, src, dst, Ws, Wn, b):
    # DGL SAGEConv aggregator_type='mean': h = x @ W_self + mean_neigh(x) @ W_neigh + b
    msg = jax.ops.segment_sum(x[src], dst, num_segments=N)
    deg = _deg(dst)
    agg = msg / jnp.maximum(deg, 1.0)[:, None]
    return x @ Ws + agg @ Wn + b

def reference(x, edge_index, W1n, b1, W2s, W2n, b2, W3s, W3n, b3):
    src, dst = edge_index[0], edge_index[1]
    h = jax.nn.relu(_sage_gcn(x, src, dst, W1n, b1))
    h = jax.nn.relu(_sage_mean(h, src, dst, W2s, W2n, b2))
    h = _sage_mean(h, src, dst, W3s, W3n, b3)
    return h

if __name__ == "__main__":
    import jax
    _d = setup_inputs()
    print(jax.jit(kernel)(*tuple(_d.values())))

</pallas_src>

<mosaic_0001>
#map = affine_map<(d0, d1) -> (0, 0, 0)>
#map1 = affine_map<(d0, d1) -> (0, 0)>
module attributes {stable_mosaic.version = 14 : i64} {
  func.func @sck(%arg0: i32, %arg1: i32, %arg2: memref<32x63x80xi32, #tpu.memory_space<hbm>>, %arg3: memref<32x63x80xi32, #tpu.memory_space<hbm>>, %arg4: memref<10240x128xf32, #tpu.memory_space<hbm>>, %arg5: memref<10240x128xf32, #tpu.memory_space<hbm>>, %arg6: memref<2x10240x128xf32, #tpu.memory_space<hbm>>, %arg7: memref<63x80xi32, #tpu.memory_space<vmem>>, %arg8: memref<63x80xi32, #tpu.memory_space<vmem>>, %arg9: memref<80x128xf32, #tpu.memory_space<vmem>>, %arg10: memref<10240x128xf32, #tpu.memory_space<vmem_shared>>, %arg11: memref<!tpu.dma_semaphore, #tpu.memory_space<semaphore_mem>>) attributes {dimension_semantics = [#tpu.dimension_semantics<core_parallel>, #tpu.dimension_semantics<subcore_parallel>], iteration_bounds = array<i64: 2, 16>, scalar_prefetch = 0 : i64, scratch_operands = 5 : i64, tpu.core_type = #tpu.core_type<sc_vector_subcore>, window_params = [{transform_indices = #map}, {transform_indices = #map}, {transform_indices = #map1}, {transform_indices = #map1}, {transform_indices = #map}]} {
    %mul3A = arith.constant 2 : i32
    %mul3A_0 = arith.muli %arg1, %mul3A : i32
    %add3A = arith.addi %mul3A_0, %arg0 : i32
    "tpu.region"() ({
      %run_scoped3A = tpu.sem_alloc : memref<!tpu.dma_semaphore, #tpu.memory_space<semaphore_mem>>
      %dma_start3A = arith.constant 0 : i32
      %dma_start3A_15 = arith.constant 0 : i32
      %dma_start3A_16 = tpu.memref_slice %arg2[%add3A, %dma_start3A, %dma_start3A_15] : memref<32x63x80xi32, #tpu.memory_space<hbm>> -> memref<1x63x80xi32, #tpu.memory_space<hbm>>
      %dma_start3A_17 = tpu.memref_squeeze %dma_start3A_16 : memref<1x63x80xi32, #tpu.memory_space<hbm>> -> memref<63x80xi32, #tpu.memory_space<hbm>>
      %dma_start3A_18 = arith.constant 0 : i32
      %dma_start3A_19 = arith.constant 0 : i32
      %dma_start3A_20 = tpu.memref_slice %arg2[%add3A, %dma_start3A_18, %dma_start3A_19] : memref<32x63x80xi32, #tpu.memory_space<hbm>> -> memref<1x63x80xi32, #tpu.memory_space<hbm>>
      %dma_start3A_21 = tpu.memref_squeeze %dma_start3A_20 : memref<1x63x80xi32, #tpu.memory_space<hbm>> -> memref<63x80xi32, #tpu.memory_space<hbm>>
      tpu.enqueue_dma source(%dma_start3A_21 : memref<63x80xi32, #tpu.memory_space<hbm>>) target(%arg7 : memref<63x80xi32, #tpu.memory_space<vmem>>) target_semaphore(%run_scoped3A : memref<!tpu.dma_semaphore, #tpu.memory_space<semaphore_mem>>)
      %dma_wait3A = arith.constant 0 : i32
      %dma_wait3A_22 = arith.constant 0 : i32
      %dma_wait3A_23 = tpu.memref_slice %arg2[%add3A, %dma_wait3A, %dma_wait3A_22] : memref<32x63x80xi32, #tpu.memory_space<hbm>> -> memref<1x63x80xi32, #tpu.memory_space<hbm>>
      %dma_wait3A_24 = tpu.memref_squeeze %dma_wait3A_23 : memref<1x63x80xi32, #tpu.memory_space<hbm>> -> memref<63x80xi32, #tpu.memory_space<hbm>>
      %dma_wait3A_25 = arith.constant 0 : i32
      %dma_wait3A_26 = arith.constant 0 : i32
      %dma_wait3A_27 = tpu.memref_slice %arg2[%add3A, %dma_wait3A_25, %dma_wait3A_26] : memref<32x63x80xi32, #tpu.memory_space<hbm>> -> memref<1x63x80xi32, #tpu.memory_space<hbm>>
      %dma_wait3A_28 = tpu.memref_squeeze %dma_wait3A_27 : memref<1x63x80xi32, #tpu.memory_space<hbm>> -> memref<63x80xi32, #tpu.memory_space<hbm>>
      tpu.wait_dma2 semaphore(%run_scoped3A : memref<!tpu.dma_semaphore, #tpu.memory_space<semaphore_mem>>) src(%dma_wait3A_28 : memref<63x80xi32, #tpu.memory_space<hbm>>) dst(%arg7 : memref<63x80xi32, #tpu.memory_space<vmem>>)
      tpu.yield
    }) : () -> ()
    "tpu.region"() ({
      %run_scoped3A = tpu.sem_alloc : memref<!tpu.dma_semaphore, #tpu.memory_space<semaphore_mem>>
      %dma_start3A = arith.constant 0 : i32
      %dma_start3A_15 = arith.constant 0 : i32
      %dma_start3A_16 = tpu.memref_slice %arg3[%add3A, %dma_start3A, %dma_start3A_15] : memref<32x63x80xi32, #tpu.memory_space<hbm>> -> memref<1x63x80xi32, #tpu.memory_space<hbm>>
      %dma_start3A_17 = tpu.memref_squeeze %dma_start3A_16 : memref<1x63x80xi32, #tpu.memory_space<hbm>> -> memref<63x80xi32, #tpu.memory_space<hbm>>
      %dma_start3A_18 = arith.constant 0 : i32
      %dma_start3A_19 = arith.constant 0 : i32
      %dma_start3A_20 = tpu.memref_slice %arg3[%add3A, %dma_start3A_18, %dma_start3A_19] : memref<32x63x80xi32, #tpu.memory_space<hbm>> -> memref<1x63x80xi32, #tpu.memory_space<hbm>>
      %dma_start3A_21 = tpu.memref_squeeze %dma_start3A_20 : memref<1x63x80xi32, #tpu.memory_space<hbm>> -> memref<63x80xi32, #tpu.memory_space<hbm>>
      tpu.enqueue_dma source(%dma_start3A_21 : memref<63x80xi32, #tpu.memory_space<hbm>>) target(%arg8 : memref<63x80xi32, #tpu.memory_space<vmem>>) target_semaphore(%run_scoped3A : memref<!tpu.dma_semaphore, #tpu.memory_space<semaphore_mem>>)
      %dma_wait3A = arith.constant 0 : i32
      %dma_wait3A_22 = arith.constant 0 : i32
      %dma_wait3A_23 = tpu.memref_slice %arg3[%add3A, %dma_wait3A, %dma_wait3A_22] : memref<32x63x80xi32, #tpu.memory_space<hbm>> -> memref<1x63x80xi32, #tpu.memory_space<hbm>>
      %dma_wait3A_24 = tpu.memref_squeeze %dma_wait3A_23 : memref<1x63x80xi32, #tpu.memory_space<hbm>> -> memref<63x80xi32, #tpu.memory_space<hbm>>
      %dma_wait3A_25 = arith.constant 0 : i32
      %dma_wait3A_26 = arith.constant 0 : i32
      %dma_wait3A_27 = tpu.memref_slice %arg3[%add3A, %dma_wait3A_25, %dma_wait3A_26] : memref<32x63x80xi32, #tpu.memory_space<hbm>> -> memref<1x63x80xi32, #tpu.memory_space<hbm>>
      %dma_wait3A_28 = tpu.memref_squeeze %dma_wait3A_27 : memref<1x63x80xi32, #tpu.memory_space<hbm>> -> memref<63x80xi32, #tpu.memory_space<hbm>>
      tpu.wait_dma2 semaphore(%run_scoped3A : memref<!tpu.dma_semaphore, #tpu.memory_space<semaphore_mem>>) src(%dma_wait3A_28 : memref<63x80xi32, #tpu.memory_space<hbm>>) dst(%arg8 : memref<63x80xi32, #tpu.memory_space<vmem>>)
      tpu.yield
    }) : () -> ()
    %mul3A_1 = arith.constant 640 : i32
    %mul3A_2 = arith.muli %arg1, %mul3A_1 : i32
    %mul3A_3 = arith.constant 640 : i32
    %mul3A_4 = arith.muli %arg1, %mul3A_3 : i32
    "tpu.region"() ({
      %run_scoped3A = tpu.sem_alloc : memref<!tpu.dma_semaphore, #tpu.memory_space<semaphore_mem>>
      %dma_start3A = arith.constant 0 : i32
      %dma_start3A_15 = tpu.memref_slice %arg10[%mul3A_4, %dma_start3A] : memref<10240x128xf32, #tpu.memory_space<vmem_shared>> -> memref<640x128xf32, #tpu.memory_space<vmem_shared>>
      %dma_start3A_16 = arith.constant 0 : i32
      %dma_start3A_17 = tpu.memref_slice %arg5[%mul3A_2, %dma_start3A_16] : memref<10240x128xf32, #tpu.memory_space<hbm>> -> memref<640x128xf32, #tpu.memory_space<hbm>>
      tpu.enqueue_dma source(%dma_start3A_17 : memref<640x128xf32, #tpu.memory_space<hbm>>) target(%dma_start3A_15 : memref<640x128xf32, #tpu.memory_space<vmem_shared>>) target_semaphore(%run_scoped3A : memref<!tpu.dma_semaphore, #tpu.memory_space<semaphore_mem>>)
      %dma_wait3A = arith.constant 0 : i32
      %dma_wait3A_18 = tpu.memref_slice %arg10[%mul3A_4, %dma_wait3A] : memref<10240x128xf32, #tpu.memory_space<vmem_shared>> -> memref<640x128xf32, #tpu.memory_space<vmem_shared>>
      %dma_wait3A_19 = arith.constant 0 : i32
      %dma_wait3A_20 = tpu.memref_slice %arg5[%mul3A_2, %dma_wait3A_19] : memref<10240x128xf32, #tpu.memory_space<hbm>> -> memref<640x128xf32, #tpu.memory_space<hbm>>
      tpu.wait_dma2 semaphore(%run_scoped3A : memref<!tpu.dma_semaphore, #tpu.memory_space<semaphore_mem>>) src(%dma_wait3A_20 : memref<640x128xf32, #tpu.memory_space<hbm>>) dst(%dma_wait3A_18 : memref<640x128xf32, #tpu.memory_space<vmem_shared>>)
      tpu.yield
    }) : () -> ()
    %barrier3A = arith.constant 0 : index
    tpu.barrier barrier_id(%barrier3A)
    %scan3A = arith.constant 0 : i32
    %scan3A_5 = arith.constant 0 : i32
    %scan3A_6 = arith.constant 63 : i32
    %scan3A_7 = arith.addi %scan3A_5, %scan3A_6 : i32
    %scan3A_8 = arith.constant 1 : i32
    scf.for %scan3A_15 = %scan3A_5 to %scan3A_7 step %scan3A_8  : i32 {
      %dma_start3A = arith.constant 0 : i32
      %dma_start3A_16 = tpu.memref_slice %arg7[%scan3A_15, %dma_start3A] : memref<63x80xi32, #tpu.memory_space<vmem>> -> memref<1x80xi32, #tpu.memory_space<vmem>>
      %dma_start3A_17 = tpu.memref_squeeze %dma_start3A_16 : memref<1x80xi32, #tpu.memory_space<vmem>> -> memref<80xi32, #tpu.memory_space<vmem>>
      %dma_start3A_18 = arith.constant 0 : i32
      %dma_start3A_19 = arith.constant 0 : i32
      %dma_start3A_20 = tpu.memref_slice %arg4[%dma_start3A_18, %dma_start3A_19] : memref<10240x128xf32, #tpu.memory_space<hbm>> -> memref<10240x128xf32, #tpu.memory_space<hbm>>
      tpu.enqueue_indirect_dma source(%dma_start3A_20 : memref<10240x128xf32, #tpu.memory_space<hbm>>) target(%arg9 : memref<80x128xf32, #tpu.memory_space<vmem>>) offsets(%dma_start3A_17 : memref<80xi32, #tpu.memory_space<vmem>>) semaphore(%arg11 : memref<!tpu.dma_semaphore, #tpu.memory_space<semaphore_mem>>)
      %dma_wait3A = arith.constant 0 : i32
      %dma_wait3A_21 = tpu.memref_slice %arg7[%scan3A_15, %dma_wait3A] : memref<63x80xi32, #tpu.memory_space<vmem>> -> memref<1x80xi32, #tpu.memory_space<vmem>>
      %dma_wait3A_22 = tpu.memref_squeeze %dma_wait3A_21 : memref<1x80xi32, #tpu.memory_space<vmem>> -> memref<80xi32, #tpu.memory_space<vmem>>
      %dma_wait3A_23 = arith.constant 0 : i32
      %dma_wait3A_24 = arith.constant 0 : i32
      %dma_wait3A_25 = tpu.memref_slice %arg4[%dma_wait3A_23, %dma_wait3A_24] : memref<10240x128xf32, #tpu.memory_space<hbm>> -> memref<10240x128xf32, #tpu.memory_space<hbm>>
      tpu.wait_indirect_dma semaphore(%arg11 : memref<!tpu.dma_semaphore, #tpu.memory_space<semaphore_mem>>) src(%dma_wait3A_25 : memref<10240x128xf32, #tpu.memory_space<hbm>>) dst(%arg9 : memref<80x128xf32, #tpu.memory_space<vmem>>)
      "tpu.region"() ({
        %run_scoped3A = tpu.sem_alloc : memref<!tpu.dma_semaphore, #tpu.memory_space<semaphore_mem>>
        %dma_start3A_26 = arith.constant 0 : i32
        %dma_start3A_27 = tpu.memref_slice %arg8[%scan3A_15, %dma_start3A_26] : memref<63x80xi32, #tpu.memory_space<vmem>> -> memref<1x80xi32, #tpu.memory_space<vmem>>
        %dma_start3A_28 = tpu.memref_squeeze %dma_start3A_27 : memref<1x80xi32, #tpu.memory_space<vmem>> -> memref<80xi32, #tpu.memory_space<vmem>>
        %dma_start3A_29 = arith.constant 0 : i32
        %dma_start3A_30 = arith.constant 0 : i32
        %dma_start3A_31 = tpu.memref_slice %arg10[%dma_start3A_29, %dma_start3A_30] : memref<10240x128xf32, #tpu.memory_space<vmem_shared>> -> memref<10240x128xf32, #tpu.memory_space<vmem_shared>>
        tpu.enqueue_indirect_dma source(%arg9 : memref<80x128xf32, #tpu.memory_space<vmem>>) target(%dma_start3A_31 : memref<10240x128xf32, #tpu.memory_space<vmem_shared>>) offsets(%dma_start3A_28 : memref<80xi32, #tpu.memory_space<vmem>>) semaphore(%run_scoped3A : memref<!tpu.dma_semaphore, #tpu.memory_space<semaphore_mem>>) {add = true}
        %dma_wait3A_32 = arith.constant 0 : i32
        %dma_wait3A_33 = tpu.memref_slice %arg8[%scan3A_15, %dma_wait3A_32] : memref<63x80xi32, #tpu.memory_space<vmem>> -> memref<1x80xi32, #tpu.memory_space<vmem>>
        %dma_wait3A_34 = tpu.memref_squeeze %dma_wait3A_33 : memref<1x80xi32, #tpu.memory_space<vmem>> -> memref<80xi32, #tpu.memory_space<vmem>>
        %dma_wait3A_35 = arith.constant 0 : i32
        %dma_wait3A_36 = arith.constant 0 : i32
        %dma_wait3A_37 = tpu.memref_slice %arg10[%dma_wait3A_35, %dma_wait3A_36] : memref<10240x128xf32, #tpu.memory_space<vmem_shared>> -> memref<10240x128xf32, #tpu.memory_space<vmem_shared>>
        tpu.wait_indirect_dma semaphore(%run_scoped3A : memref<!tpu.dma_semaphore, #tpu.memory_space<semaphore_mem>>) src(%arg9 : memref<80x128xf32, #tpu.memory_space<vmem>>) dst(%dma_wait3A_37 : memref<10240x128xf32, #tpu.memory_space<vmem_shared>>)
        tpu.yield
      }) : () -> ()
    }
    %scan3A_9 = arith.constant 63 : i32
    %barrier3A_10 = arith.constant 0 : index
    tpu.barrier barrier_id(%barrier3A_10)
    %mul3A_11 = arith.constant 640 : i32
    %mul3A_12 = arith.muli %arg1, %mul3A_11 : i32
    %mul3A_13 = arith.constant 640 : i32
    %mul3A_14 = arith.muli %arg1, %mul3A_13 : i32
    "tpu.region"() ({
      %run_scoped3A = tpu.sem_alloc : memref<!tpu.dma_semaphore, #tpu.memory_space<semaphore_mem>>
      %dma_start3A = arith.constant 0 : i32
      %dma_start3A_15 = arith.constant 0 : i32
      %dma_start3A_16 = tpu.memref_slice %arg6[%arg0, %dma_start3A, %dma_start3A_15] : memref<2x10240x128xf32, #tpu.memory_space<hbm>> -> memref<1x10240x128xf32, #tpu.memory_space<hbm>>
      %dma_start3A_17 = tpu.memref_squeeze %dma_start3A_16 : memref<1x10240x128xf32, #tpu.memory_space<hbm>> -> memref<10240x128xf32, #tpu.memory_space<hbm>>
      %dma_start3A_18 = arith.constant 0 : i32
      %dma_start3A_19 = tpu.memref_slice %dma_start3A_17[%mul3A_14, %dma_start3A_18] : memref<10240x128xf32, #tpu.memory_space<hbm>> -> memref<640x128xf32, #tpu.memory_space<hbm>>
      %dma_start3A_20 = arith.constant 0 : i32
      %dma_start3A_21 = tpu.memref_slice %arg10[%mul3A_12, %dma_start3A_20] : memref<10240x128xf32, #tpu.memory_space<vmem_shared>> -> memref<640x128xf32, #tpu.memory_space<vmem_shared>>
      tpu.enqueue_dma source(%dma_start3A_21 : memref<640x128xf32, #tpu.memory_space<vmem_shared>>) target(%dma_start3A_19 : memref<640x128xf32, #tpu.memory_space<hbm>>) target_semaphore(%run_scoped3A : memref<!tpu.dma_semaphore, #tpu.memory_space<semaphore_mem>>)
      %dma_wait3A = arith.constant 0 : i32
      %dma_wait3A_22 = arith.constant 0 : i32
      %dma_wait3A_23 = tpu.memref_slice %arg6[%arg0, %dma_wait3A, %dma_wait3A_22] : memref<2x10240x128xf32, #tpu.memory_space<hbm>> -> memref<1x10240x128xf32, #tpu.memory_space<hbm>>
      %dma_wait3A_24 = tpu.memref_squeeze %dma_wait3A_23 : memref<1x10240x128xf32, #tpu.memory_space<hbm>> -> memref<10240x128xf32, #tpu.memory_space<hbm>>
      %dma_wait3A_25 = arith.constant 0 : i32
      %dma_wait3A_26 = tpu.memref_slice %dma_wait3A_24[%mul3A_14, %dma_wait3A_25] : memref<10240x128xf32, #tpu.memory_space<hbm>> -> memref<640x128xf32, #tpu.memory_space<hbm>>
      %dma_wait3A_27 = arith.constant 0 : i32
      %dma_wait3A_28 = tpu.memref_slice %arg10[%mul3A_12, %dma_wait3A_27] : memref<10240x128xf32, #tpu.memory_space<vmem_shared>> -> memref<640x128xf32, #tpu.memory_space<vmem_shared>>
      tpu.wait_dma2 semaphore(%run_scoped3A : memref<!tpu.dma_semaphore, #tpu.memory_space<semaphore_mem>>) src(%dma_wait3A_28 : memref<640x128xf32, #tpu.memory_space<vmem_shared>>) dst(%dma_wait3A_26 : memref<640x128xf32, #tpu.memory_space<hbm>>)
      tpu.yield
    }) : () -> ()
    return
  }
}

#map = affine_map<(d0, d1) -> (0, 0, 0)>
#map1 = affine_map<(d0, d1) -> (0, 0)>
module attributes {stable_mosaic.version = 14 : i64} {
  func.func @sck(%arg0: i32, %arg1: i32, %arg2: memref<32x63x80xi32, #tpu.memory_space<hbm>>, %arg3: memref<32x63x80xi32, #tpu.memory_space<hbm>>, %arg4: memref<10240x128xf32, #tpu.memory_space<hbm>>, %arg5: memref<10240x128xf32, #tpu.memory_space<hbm>>, %arg6: memref<2x10240x128xf32, #tpu.memory_space<hbm>>, %arg7: memref<63x80xi32, #tpu.memory_space<vmem>>, %arg8: memref<63x80xi32, #tpu.memory_space<vmem>>, %arg9: memref<80x128xf32, #tpu.memory_space<vmem>>, %arg10: memref<10240x128xf32, #tpu.memory_space<vmem_shared>>, %arg11: memref<!tpu.dma_semaphore, #tpu.memory_space<semaphore_mem>>) attributes {dimension_semantics = [#tpu.dimension_semantics<core_parallel>, #tpu.dimension_semantics<subcore_parallel>], iteration_bounds = array<i64: 2, 16>, scalar_prefetch = 0 : i64, scratch_operands = 5 : i64, tpu.core_type = #tpu.core_type<sc_vector_subcore>, window_params = [{transform_indices = #map}, {transform_indices = #map}, {transform_indices = #map1}, {transform_indices = #map1}, {transform_indices = #map}]} {
    %mul3A = arith.constant 2 : i32
    %mul3A_0 = arith.muli %arg1, %mul3A : i32
    %add3A = arith.addi %mul3A_0, %arg0 : i32
    "tpu.region"() ({
      %run_scoped3A = tpu.sem_alloc : memref<!tpu.dma_semaphore, #tpu.memory_space<semaphore_mem>>
      %dma_start3A = arith.constant 0 : i32
      %dma_start3A_15 = arith.constant 0 : i32
      %dma_start3A_16 = tpu.memref_slice %arg2[%add3A, %dma_start3A, %dma_start3A_15] : memref<32x63x80xi32, #tpu.memory_space<hbm>> -> memref<1x63x80xi32, #tpu.memory_space<hbm>>
      %dma_start3A_17 = tpu.memref_squeeze %dma_start3A_16 : memref<1x63x80xi32, #tpu.memory_space<hbm>> -> memref<63x80xi32, #tpu.memory_space<hbm>>
      %dma_start3A_18 = arith.constant 0 : i32
      %dma_start3A_19 = arith.constant 0 : i32
      %dma_start3A_20 = tpu.memref_slice %arg2[%add3A, %dma_start3A_18, %dma_start3A_19] : memref<32x63x80xi32, #tpu.memory_space<hbm>> -> memref<1x63x80xi32, #tpu.memory_space<hbm>>
      %dma_start3A_21 = tpu.memref_squeeze %dma_start3A_20 : memref<1x63x80xi32, #tpu.memory_space<hbm>> -> memref<63x80xi32, #tpu.memory_space<hbm>>
      tpu.enqueue_dma source(%dma_start3A_21 : memref<63x80xi32, #tpu.memory_space<hbm>>) target(%arg7 : memref<63x80xi32, #tpu.memory_space<vmem>>) target_semaphore(%run_scoped3A : memref<!tpu.dma_semaphore, #tpu.memory_space<semaphore_mem>>)
      %dma_wait3A = arith.constant 0 : i32
      %dma_wait3A_22 = arith.constant 0 : i32
      %dma_wait3A_23 = tpu.memref_slice %arg2[%add3A, %dma_wait3A, %dma_wait3A_22] : memref<32x63x80xi32, #tpu.memory_space<hbm>> -> memref<1x63x80xi32, #tpu.memory_space<hbm>>
      %dma_wait3A_24 = tpu.memref_squeeze %dma_wait3A_23 : memref<1x63x80xi32, #tpu.memory_space<hbm>> -> memref<63x80xi32, #tpu.memory_space<hbm>>
      %dma_wait3A_25 = arith.constant 0 : i32
      %dma_wait3A_26 = arith.constant 0 : i32
      %dma_wait3A_27 = tpu.memref_slice %arg2[%add3A, %dma_wait3A_25, %dma_wait3A_26] : memref<32x63x80xi32, #tpu.memory_space<hbm>> -> memref<1x63x80xi32, #tpu.memory_space<hbm>>
      %dma_wait3A_28 = tpu.memref_squeeze %dma_wait3A_27 : memref<1x63x80xi32, #tpu.memory_space<hbm>> -> memref<63x80xi32, #tpu.memory_space<hbm>>
      tpu.wait_dma2 semaphore(%run_scoped3A : memref<!tpu.dma_semaphore, #tpu.memory_space<semaphore_mem>>) src(%dma_wait3A_28 : memref<63x80xi32, #tpu.memory_space<hbm>>) dst(%arg7 : memref<63x80xi32, #tpu.memory_space<vmem>>)
      tpu.yield
    }) : () -> ()
    "tpu.region"() ({
      %run_scoped3A = tpu.sem_alloc : memref<!tpu.dma_semaphore, #tpu.memory_space<semaphore_mem>>
      %dma_start3A = arith.constant 0 : i32
      %dma_start3A_15 = arith.constant 0 : i32
      %dma_start3A_16 = tpu.memref_slice %arg3[%add3A, %dma_start3A, %dma_start3A_15] : memref<32x63x80xi32, #tpu.memory_space<hbm>> -> memref<1x63x80xi32, #tpu.memory_space<hbm>>
      %dma_start3A_17 = tpu.memref_squeeze %dma_start3A_16 : memref<1x63x80xi32, #tpu.memory_space<hbm>> -> memref<63x80xi32, #tpu.memory_space<hbm>>
      %dma_start3A_18 = arith.constant 0 : i32
      %dma_start3A_19 = arith.constant 0 : i32
      %dma_start3A_20 = tpu.memref_slice %arg3[%add3A, %dma_start3A_18, %dma_start3A_19] : memref<32x63x80xi32, #tpu.memory_space<hbm>> -> memref<1x63x80xi32, #tpu.memory_space<hbm>>
      %dma_start3A_21 = tpu.memref_squeeze %dma_start3A_20 : memref<1x63x80xi32, #tpu.memory_space<hbm>> -> memref<63x80xi32, #tpu.memory_space<hbm>>
      tpu.enqueue_dma source(%dma_start3A_21 : memref<63x80xi32, #tpu.memory_space<hbm>>) target(%arg8 : memref<63x80xi32, #tpu.memory_space<vmem>>) target_semaphore(%run_scoped3A : memref<!tpu.dma_semaphore, #tpu.memory_space<semaphore_mem>>)
      %dma_wait3A = arith.constant 0 : i32
      %dma_wait3A_22 = arith.constant 0 : i32
      %dma_wait3A_23 = tpu.memref_slice %arg3[%add3A, %dma_wait3A, %dma_wait3A_22] : memref<32x63x80xi32, #tpu.memory_space<hbm>> -> memref<1x63x80xi32, #tpu.memory_space<hbm>>
      %dma_wait3A_24 = tpu.memref_squeeze %dma_wait3A_23 : memref<1x63x80xi32, #tpu.memory_space<hbm>> -> memref<63x80xi32, #tpu.memory_space<hbm>>
      %dma_wait3A_25 = arith.constant 0 : i32
      %dma_wait3A_26 = arith.constant 0 : i32
      %dma_wait3A_27 = tpu.memref_slice %arg3[%add3A, %dma_wait3A_25, %dma_wait3A_26] : memref<32x63x80xi32, #tpu.memory_space<hbm>> -> memref<1x63x80xi32, #tpu.memory_space<hbm>>
      %dma_wait3A_28 = tpu.memref_squeeze %dma_wait3A_27 : memref<1x63x80xi32, #tpu.memory_space<hbm>> -> memref<63x80xi32, #tpu.memory_space<hbm>>
      tpu.wait_dma2 semaphore(%run_scoped3A : memref<!tpu.dma_semaphore, #tpu.memory_space<semaphore_mem>>) src(%dma_wait3A_28 : memref<63x80xi32, #tpu.memory_space<hbm>>) dst(%arg8 : memref<63x80xi32, #tpu.memory_space<vmem>>)
      tpu.yield
    }) : () -> ()
    %mul3A_1 = arith.constant 640 : i32
    %mul3A_2 = arith.muli %arg1, %mul3A_1 : i32
    %mul3A_3 = arith.constant 640 : i32
    %mul3A_4 = arith.muli %arg1, %mul3A_3 : i32
    "tpu.region"() ({
      %run_scoped3A = tpu.sem_alloc : memref<!tpu.dma_semaphore, #tpu.memory_space<semaphore_mem>>
      %dma_start3A = arith.constant 0 : i32
      %dma_start3A_15 = tpu.memref_slice %arg10[%mul3A_4, %dma_start3A] : memref<10240x128xf32, #tpu.memory_space<vmem_shared>> -> memref<640x128xf32, #tpu.memory_space<vmem_shared>>
      %dma_start3A_16 = arith.constant 0 : i32
      %dma_start3A_17 = tpu.memref_slice %arg5[%mul3A_2, %dma_start3A_16] : memref<10240x128xf32, #tpu.memory_space<hbm>> -> memref<640x128xf32, #tpu.memory_space<hbm>>
      tpu.enqueue_dma source(%dma_start3A_17 : memref<640x128xf32, #tpu.memory_space<hbm>>) target(%dma_start3A_15 : memref<640x128xf32, #tpu.memory_space<vmem_shared>>) target_semaphore(%run_scoped3A : memref<!tpu.dma_semaphore, #tpu.memory_space<semaphore_mem>>)
      %dma_wait3A = arith.constant 0 : i32
      %dma_wait3A_18 = tpu.memref_slice %arg10[%mul3A_4, %dma_wait3A] : memref<10240x128xf32, #tpu.memory_space<vmem_shared>> -> memref<640x128xf32, #tpu.memory_space<vmem_shared>>
      %dma_wait3A_19 = arith.constant 0 : i32
      %dma_wait3A_20 = tpu.memref_slice %arg5[%mul3A_2, %dma_wait3A_19] : memref<10240x128xf32, #tpu.memory_space<hbm>> -> memref<640x128xf32, #tpu.memory_space<hbm>>
      tpu.wait_dma2 semaphore(%run_scoped3A : memref<!tpu.dma_semaphore, #tpu.memory_space<semaphore_mem>>) src(%dma_wait3A_20 : memref<640x128xf32, #tpu.memory_space<hbm>>) dst(%dma_wait3A_18 : memref<640x128xf32, #tpu.memory_space<vmem_shared>>)
      tpu.yield
    }) : () -> ()
    %barrier3A = arith.constant 0 : index
    tpu.barrier barrier_id(%barrier3A)
    %scan3A = arith.constant 0 : i32
    %scan3A_5 = arith.constant 0 : i32
    %scan3A_6 = arith.constant 63 : i32
    %scan3A_7 = arith.addi %scan3A_5, %scan3A_6 : i32
    %scan3A_8 = arith.constant 1 : i32
    scf.for %scan3A_15 = %scan3A_5 to %scan3A_7 step %scan3A_8  : i32 {
      %dma_start3A = arith.constant 0 : i32
      %dma_start3A_16 = tpu.memref_slice %arg7[%scan3A_15, %dma_start3A] : memref<63x80xi32, #tpu.memory_space<vmem>> -> memref<1x80xi32, #tpu.memory_space<vmem>>
      %dma_start3A_17 = tpu.memref_squeeze %dma_start3A_16 : memref<1x80xi32, #tpu.memory_space<vmem>> -> memref<80xi32, #tpu.memory_space<vmem>>
      %dma_start3A_18 = arith.constant 0 : i32
      %dma_start3A_19 = arith.constant 0 : i32
      %dma_start3A_20 = tpu.memref_slice %arg4[%dma_start3A_18, %dma_start3A_19] : memref<10240x128xf32, #tpu.memory_space<hbm>> -> memref<10240x128xf32, #tpu.memory_space<hbm>>
      tpu.enqueue_indirect_dma source(%dma_start3A_20 : memref<10240x128xf32, #tpu.memory_space<hbm>>) target(%arg9 : memref<80x128xf32, #tpu.memory_space<vmem>>) offsets(%dma_start3A_17 : memref<80xi32, #tpu.memory_space<vmem>>) semaphore(%arg11 : memref<!tpu.dma_semaphore, #tpu.memory_space<semaphore_mem>>)
      %dma_wait3A = arith.constant 0 : i32
      %dma_wait3A_21 = tpu.memref_slice %arg7[%scan3A_15, %dma_wait3A] : memref<63x80xi32, #tpu.memory_space<vmem>> -> memref<1x80xi32, #tpu.memory_space<vmem>>
      %dma_wait3A_22 = tpu.memref_squeeze %dma_wait3A_21 : memref<1x80xi32, #tpu.memory_space<vmem>> -> memref<80xi32, #tpu.memory_space<vmem>>
      %dma_wait3A_23 = arith.constant 0 : i32
      %dma_wait3A_24 = arith.constant 0 : i32
      %dma_wait3A_25 = tpu.memref_slice %arg4[%dma_wait3A_23, %dma_wait3A_24] : memref<10240x128xf32, #tpu.memory_space<hbm>> -> memref<10240x128xf32, #tpu.memory_space<hbm>>
      tpu.wait_indirect_dma semaphore(%arg11 : memref<!tpu.dma_semaphore, #tpu.memory_space<semaphore_mem>>) src(%dma_wait3A_25 : memref<10240x128xf32, #tpu.memory_space<hbm>>) dst(%arg9 : memref<80x128xf32, #tpu.memory_space<vmem>>)
      "tpu.region"() ({
        %run_scoped3A = tpu.sem_alloc : memref<!tpu.dma_semaphore, #tpu.memory_space<semaphore_mem>>
        %dma_start3A_26 = arith.constant 0 : i32
        %dma_start3A_27 = tpu.memref_slice %arg8[%scan3A_15, %dma_start3A_26] : memref<63x80xi32, #tpu.memory_space<vmem>> -> memref<1x80xi32, #tpu.memory_space<vmem>>
        %dma_start3A_28 = tpu.memref_squeeze %dma_start3A_27 : memref<1x80xi32, #tpu.memory_space<vmem>> -> memref<80xi32, #tpu.memory_space<vmem>>
        %dma_start3A_29 = arith.constant 0 : i32
        %dma_start3A_30 = arith.constant 0 : i32
        %dma_start3A_31 = tpu.memref_slice %arg10[%dma_start3A_29, %dma_start3A_30] : memref<10240x128xf32, #tpu.memory_space<vmem_shared>> -> memref<10240x128xf32, #tpu.memory_space<vmem_shared>>
        tpu.enqueue_indirect_dma source(%arg9 : memref<80x128xf32, #tpu.memory_space<vmem>>) target(%dma_start3A_31 : memref<10240x128xf32, #tpu.memory_space<vmem_shared>>) offsets(%dma_start3A_28 : memref<80xi32, #tpu.memory_space<vmem>>) semaphore(%run_scoped3A : memref<!tpu.dma_semaphore, #tpu.memory_space<semaphore_mem>>) {add = true}
        %dma_wait3A_32 = arith.constant 0 : i32
        %dma_wait3A_33 = tpu.memref_slice %arg8[%scan3A_15, %dma_wait3A_32] : memref<63x80xi32, #tpu.memory_space<vmem>> -> memref<1x80xi32, #tpu.memory_space<vmem>>
        %dma_wait3A_34 = tpu.memref_squeeze %dma_wait3A_33 : memref<1x80xi32, #tpu.memory_space<vmem>> -> memref<80xi32, #tpu.memory_space<vmem>>
        %dma_wait3A_35 = arith.constant 0 : i32
        %dma_wait3A_36 = arith.constant 0 : i32
        %dma_wait3A_37 = tpu.memref_slice %arg10[%dma_wait3A_35, %dma_wait3A_36] : memref<10240x128xf32, #tpu.memory_space<vmem_shared>> -> memref<10240x128xf32, #tpu.memory_space<vmem_shared>>
        tpu.wait_indirect_dma semaphore(%run_scoped3A : memref<!tpu.dma_semaphore, #tpu.memory_space<semaphore_mem>>) src(%arg9 : memref<80x128xf32, #tpu.memory_space<vmem>>) dst(%dma_wait3A_37 : memref<10240x128xf32, #tpu.memory_space<vmem_shared>>)
        tpu.yield
      }) : () -> ()
    }
    %scan3A_9 = arith.constant 63 : i32
    %barrier3A_10 = arith.constant 0 : index
    tpu.barrier barrier_id(%barrier3A_10)
    %mul3A_11 = arith.constant 640 : i32
    %mul3A_12 = arith.muli %arg1, %mul3A_11 : i32
    %mul3A_13 = arith.constant 640 : i32
    %mul3A_14 = arith.muli %arg1, %mul3A_13 : i32
    "tpu.region"() ({
      %run_scoped3A = tpu.sem_alloc : memref<!tpu.dma_semaphore, #tpu.memory_space<semaphore_mem>>
      %dma_start3A = arith.constant 0 : i32
      %dma_start3A_15 = arith.constant 0 : i32
      %dma_start3A_16 = tpu.memref_slice %arg6[%arg0, %dma_start3A, %dma_start3A_15] : memref<2x10240x128xf32, #tpu.memory_space<hbm>> -> memref<1x10240x128xf32, #tpu.memory_space<hbm>>
      %dma_start3A_17 = tpu.memref_squeeze %dma_start3A_16 : memref<1x10240x128xf32, #tpu.memory_space<hbm>> -> memref<10240x128xf32, #tpu.memory_space<hbm>>
      %dma_start3A_18 = arith.constant 0 : i32
      %dma_start3A_19 = tpu.memref_slice %dma_start3A_17[%mul3A_14, %dma_start3A_18] : memref<10240x128xf32, #tpu.memory_space<hbm>> -> memref<640x128xf32, #tpu.memory_space<hbm>>
      %dma_start3A_20 = arith.constant 0 : i32
      %dma_start3A_21 = tpu.memref_slice %arg10[%mul3A_12, %dma_start3A_20] : memref<10240x128xf32, #tpu.memory_space<vmem_shared>> -> memref<640x128xf32, #tpu.memory_space<vmem_shared>>
      tpu.enqueue_dma source(%dma_start3A_21 : memref<640x128xf32, #tpu.memory_space<vmem_shared>>) target(%dma_start3A_19 : memref<640x128xf32, #tpu.memory_space<hbm>>) target_semaphore(%run_scoped3A : memref<!tpu.dma_semaphore, #tpu.memory_space<semaphore_mem>>)
      %dma_wait3A = arith.constant 0 : i32
      %dma_wait3A_22 = arith.constant 0 : i32
      %dma_wait3A_23 = tpu.memref_slice %arg6[%arg0, %dma_wait3A, %dma_wait3A_22] : memref<2x10240x128xf32, #tpu.memory_space<hbm>> -> memref<1x10240x128xf32, #tpu.memory_space<hbm>>
      %dma_wait3A_24 = tpu.memref_squeeze %dma_wait3A_23 : memref<1x10240x128xf32, #tpu.memory_space<hbm>> -> memref<10240x128xf32, #tpu.memory_space<hbm>>
      %dma_wait3A_25 = arith.constant 0 : i32
      %dma_wait3A_26 = tpu.memref_slice %dma_wait3A_24[%mul3A_14, %dma_wait3A_25] : memref<10240x128xf32, #tpu.memory_space<hbm>> -> memref<640x128xf32, #tpu.memory_space<hbm>>
      %dma_wait3A_27 = arith.constant 0 : i32
      %dma_wait3A_28 = tpu.memref_slice %arg10[%mul3A_12, %dma_wait3A_27] : memref<10240x128xf32, #tpu.memory_space<vmem_shared>> -> memref<640x128xf32, #tpu.memory_space<vmem_shared>>
      tpu.wait_dma2 semaphore(%run_scoped3A : memref<!tpu.dma_semaphore, #tpu.memory_space<semaphore_mem>>) src(%dma_wait3A_28 : memref<640x128xf32, #tpu.memory_space<vmem_shared>>) dst(%dma_wait3A_26 : memref<640x128xf32, #tpu.memory_space<hbm>>)
      tpu.yield
    }) : () -> ()
    return
  }
}

#map = affine_map<(d0, d1) -> (0, 0, 0)>
#map1 = affine_map<(d0, d1) -> (0, 0)>
module attributes {stable_mosaic.version = 14 : i64} {
  func.func @sck(%arg0: i32, %arg1: i32, %arg2: memref<32x63x80xi32, #tpu.memory_space<hbm>>, %arg3: memref<32x63x80xi32, #tpu.memory_space<hbm>>, %arg4: memref<10240x128xf32, #tpu.memory_space<hbm>>, %arg5: memref<10240x128xf32, #tpu.memory_space<hbm>>, %arg6: memref<2x10240x128xf32, #tpu.memory_space<hbm>>, %arg7: memref<63x80xi32, #tpu.memory_space<vmem>>, %arg8: memref<63x80xi32, #tpu.memory_space<vmem>>, %arg9: memref<80x128xf32, #tpu.memory_space<vmem>>, %arg10: memref<10240x128xf32, #tpu.memory_space<vmem_shared>>, %arg11: memref<!tpu.dma_semaphore, #tpu.memory_space<semaphore_mem>>) attributes {dimension_semantics = [#tpu.dimension_semantics<core_parallel>, #tpu.dimension_semantics<subcore_parallel>], iteration_bounds = array<i64: 2, 16>, scalar_prefetch = 0 : i64, scratch_operands = 5 : i64, tpu.core_type = #tpu.core_type<sc_vector_subcore>, window_params = [{transform_indices = #map}, {transform_indices = #map}, {transform_indices = #map1}, {transform_indices = #map1}, {transform_indices = #map}]} {
    %mul3A = arith.constant 2 : i32
    %mul3A_0 = arith.muli %arg1, %mul3A : i32
    %add3A = arith.addi %mul3A_0, %arg0 : i32
    "tpu.region"() ({
      %run_scoped3A = tpu.sem_alloc : memref<!tpu.dma_semaphore, #tpu.memory_space<semaphore_mem>>
      %dma_start3A = arith.constant 0 : i32
      %dma_start3A_15 = arith.constant 0 : i32
      %dma_start3A_16 = tpu.memref_slice %arg2[%add3A, %dma_start3A, %dma_start3A_15] : memref<32x63x80xi32, #tpu.memory_space<hbm>> -> memref<1x63x80xi32, #tpu.memory_space<hbm>>
      %dma_start3A_17 = tpu.memref_squeeze %dma_start3A_16 : memref<1x63x80xi32, #tpu.memory_space<hbm>> -> memref<63x80xi32, #tpu.memory_space<hbm>>
      %dma_start3A_18 = arith.constant 0 : i32
      %dma_start3A_19 = arith.constant 0 : i32
      %dma_start3A_20 = tpu.memref_slice %arg2[%add3A, %dma_start3A_18, %dma_start3A_19] : memref<32x63x80xi32, #tpu.memory_space<hbm>> -> memref<1x63x80xi32, #tpu.memory_space<hbm>>
      %dma_start3A_21 = tpu.memref_squeeze %dma_start3A_20 : memref<1x63x80xi32, #tpu.memory_space<hbm>> -> memref<63x80xi32, #tpu.memory_space<hbm>>
      tpu.enqueue_dma source(%dma_start3A_21 : memref<63x80xi32, #tpu.memory_space<hbm>>) target(%arg7 : memref<63x80xi32, #tpu.memory_space<vmem>>) target_semaphore(%run_scoped3A : memref<!tpu.dma_semaphore, #tpu.memory_space<semaphore_mem>>)
      %dma_wait3A = arith.constant 0 : i32
      %dma_wait3A_22 = arith.constant 0 : i32
      %dma_wait3A_23 = tpu.memref_slice %arg2[%add3A, %dma_wait3A, %dma_wait3A_22] : memref<32x63x80xi32, #tpu.memory_space<hbm>> -> memref<1x63x80xi32, #tpu.memory_space<hbm>>
      %dma_wait3A_24 = tpu.memref_squeeze %dma_wait3A_23 : memref<1x63x80xi32, #tpu.memory_space<hbm>> -> memref<63x80xi32, #tpu.memory_space<hbm>>
      %dma_wait3A_25 = arith.constant 0 : i32
      %dma_wait3A_26 = arith.constant 0 : i32
      %dma_wait3A_27 = tpu.memref_slice %arg2[%add3A, %dma_wait3A_25, %dma_wait3A_26] : memref<32x63x80xi32, #tpu.memory_space<hbm>> -> memref<1x63x80xi32, #tpu.memory_space<hbm>>
      %dma_wait3A_28 = tpu.memref_squeeze %dma_wait3A_27 : memref<1x63x80xi32, #tpu.memory_space<hbm>> -> memref<63x80xi32, #tpu.memory_space<hbm>>
      tpu.wait_dma2 semaphore(%run_scoped3A : memref<!tpu.dma_semaphore, #tpu.memory_space<semaphore_mem>>) src(%dma_wait3A_28 : memref<63x80xi32, #tpu.memory_space<hbm>>) dst(%arg7 : memref<63x80xi32, #tpu.memory_space<vmem>>)
      tpu.yield
    }) : () -> ()
    "tpu.region"() ({
      %run_scoped3A = tpu.sem_alloc : memref<!tpu.dma_semaphore, #tpu.memory_space<semaphore_mem>>
      %dma_start3A = arith.constant 0 : i32
      %dma_start3A_15 = arith.constant 0 : i32
      %dma_start3A_16 = tpu.memref_slice %arg3[%add3A, %dma_start3A, %dma_start3A_15] : memref<32x63x80xi32, #tpu.memory_space<hbm>> -> memref<1x63x80xi32, #tpu.memory_space<hbm>>
      %dma_start3A_17 = tpu.memref_squeeze %dma_start3A_16 : memref<1x63x80xi32, #tpu.memory_space<hbm>> -> memref<63x80xi32, #tpu.memory_space<hbm>>
      %dma_start3A_18 = arith.constant 0 : i32
      %dma_start3A_19 = arith.constant 0 : i32
      %dma_start3A_20 = tpu.memref_slice %arg3[%add3A, %dma_start3A_18, %dma_start3A_19] : memref<32x63x80xi32, #tpu.memory_space<hbm>> -> memref<1x63x80xi32, #tpu.memory_space<hbm>>
      %dma_start3A_21 = tpu.memref_squeeze %dma_start3A_20 : memref<1x63x80xi32, #tpu.memory_space<hbm>> -> memref<63x80xi32, #tpu.memory_space<hbm>>
      tpu.enqueue_dma source(%dma_start3A_21 : memref<63x80xi32, #tpu.memory_space<hbm>>) target(%arg8 : memref<63x80xi32, #tpu.memory_space<vmem>>) target_semaphore(%run_scoped3A : memref<!tpu.dma_semaphore, #tpu.memory_space<semaphore_mem>>)
      %dma_wait3A = arith.constant 0 : i32
      %dma_wait3A_22 = arith.constant 0 : i32
      %dma_wait3A_23 = tpu.memref_slice %arg3[%add3A, %dma_wait3A, %dma_wait3A_22] : memref<32x63x80xi32, #tpu.memory_space<hbm>> -> memref<1x63x80xi32, #tpu.memory_space<hbm>>
      %dma_wait3A_24 = tpu.memref_squeeze %dma_wait3A_23 : memref<1x63x80xi32, #tpu.memory_space<hbm>> -> memref<63x80xi32, #tpu.memory_space<hbm>>
      %dma_wait3A_25 = arith.constant 0 : i32
      %dma_wait3A_26 = arith.constant 0 : i32
      %dma_wait3A_27 = tpu.memref_slice %arg3[%add3A, %dma_wait3A_25, %dma_wait3A_26] : memref<32x63x80xi32, #tpu.memory_space<hbm>> -> memref<1x63x80xi32, #tpu.memory_space<hbm>>
      %dma_wait3A_28 = tpu.memref_squeeze %dma_wait3A_27 : memref<1x63x80xi32, #tpu.memory_space<hbm>> -> memref<63x80xi32, #tpu.memory_space<hbm>>
      tpu.wait_dma2 semaphore(%run_scoped3A : memref<!tpu.dma_semaphore, #tpu.memory_space<semaphore_mem>>) src(%dma_wait3A_28 : memref<63x80xi32, #tpu.memory_space<hbm>>) dst(%arg8 : memref<63x80xi32, #tpu.memory_space<vmem>>)
      tpu.yield
    }) : () -> ()
    %mul3A_1 = arith.constant 640 : i32
    %mul3A_2 = arith.muli %arg1, %mul3A_1 : i32
    %mul3A_3 = arith.constant 640 : i32
    %mul3A_4 = arith.muli %arg1, %mul3A_3 : i32
    "tpu.region"() ({
      %run_scoped3A = tpu.sem_alloc : memref<!tpu.dma_semaphore, #tpu.memory_space<semaphore_mem>>
      %dma_start3A = arith.constant 0 : i32
      %dma_start3A_15 = tpu.memref_slice %arg10[%mul3A_4, %dma_start3A] : memref<10240x128xf32, #tpu.memory_space<vmem_shared>> -> memref<640x128xf32, #tpu.memory_space<vmem_shared>>
      %dma_start3A_16 = arith.constant 0 : i32
      %dma_start3A_17 = tpu.memref_slice %arg5[%mul3A_2, %dma_start3A_16] : memref<10240x128xf32, #tpu.memory_space<hbm>> -> memref<640x128xf32, #tpu.memory_space<hbm>>
      tpu.enqueue_dma source(%dma_start3A_17 : memref<640x128xf32, #tpu.memory_space<hbm>>) target(%dma_start3A_15 : memref<640x128xf32, #tpu.memory_space<vmem_shared>>) target_semaphore(%run_scoped3A : memref<!tpu.dma_semaphore, #tpu.memory_space<semaphore_mem>>)
      %dma_wait3A = arith.constant 0 : i32
      %dma_wait3A_18 = tpu.memref_slice %arg10[%mul3A_4, %dma_wait3A] : memref<10240x128xf32, #tpu.memory_space<vmem_shared>> -> memref<640x128xf32, #tpu.memory_space<vmem_shared>>
      %dma_wait3A_19 = arith.constant 0 : i32
      %dma_wait3A_20 = tpu.memref_slice %arg5[%mul3A_2, %dma_wait3A_19] : memref<10240x128xf32, #tpu.memory_space<hbm>> -> memref<640x128xf32, #tpu.memory_space<hbm>>
      tpu.wait_dma2 semaphore(%run_scoped3A : memref<!tpu.dma_semaphore, #tpu.memory_space<semaphore_mem>>) src(%dma_wait3A_20 : memref<640x128xf32, #tpu.memory_space<hbm>>) dst(%dma_wait3A_18 : memref<640x128xf32, #tpu.memory_space<vmem_shared>>)
      tpu.yield
    }) : () -> ()
    %barrier3A = arith.constant 0 : index
    tpu.barrier barrier_id(%barrier3A)
    %scan3A = arith.constant 0 : i32
    %scan3A_5 = arith.constant 0 : i32
    %scan3A_6 = arith.constant 63 : i32
    %scan3A_7 = arith.addi %scan3A_5, %scan3A_6 : i32
    %scan3A_8 = arith.constant 1 : i32
    scf.for %scan3A_15 = %scan3A_5 to %scan3A_7 step %scan3A_8  : i32 {
      %dma_start3A = arith.constant 0 : i32
      %dma_start3A_16 = tpu.memref_slice %arg7[%scan3A_15, %dma_start3A] : memref<63x80xi32, #tpu.memory_space<vmem>> -> memref<1x80xi32, #tpu.memory_space<vmem>>
      %dma_start3A_17 = tpu.memref_squeeze %dma_start3A_16 : memref<1x80xi32, #tpu.memory_space<vmem>> -> memref<80xi32, #tpu.memory_space<vmem>>
      %dma_start3A_18 = arith.constant 0 : i32
      %dma_start3A_19 = arith.constant 0 : i32
      %dma_start3A_20 = tpu.memref_slice %arg4[%dma_start3A_18, %dma_start3A_19] : memref<10240x128xf32, #tpu.memory_space<hbm>> -> memref<10240x128xf32, #tpu.memory_space<hbm>>
      tpu.enqueue_indirect_dma source(%dma_start3A_20 : memref<10240x128xf32, #tpu.memory_space<hbm>>) target(%arg9 : memref<80x128xf32, #tpu.memory_space<vmem>>) offsets(%dma_start3A_17 : memref<80xi32, #tpu.memory_space<vmem>>) semaphore(%arg11 : memref<!tpu.dma_semaphore, #tpu.memory_space<semaphore_mem>>)
      %dma_wait3A = arith.constant 0 : i32
      %dma_wait3A_21 = tpu.memref_slice %arg7[%scan3A_15, %dma_wait3A] : memref<63x80xi32, #tpu.memory_space<vmem>> -> memref<1x80xi32, #tpu.memory_space<vmem>>
      %dma_wait3A_22 = tpu.memref_squeeze %dma_wait3A_21 : memref<1x80xi32, #tpu.memory_space<vmem>> -> memref<80xi32, #tpu.memory_space<vmem>>
      %dma_wait3A_23 = arith.constant 0 : i32
      %dma_wait3A_24 = arith.constant 0 : i32
      %dma_wait3A_25 = tpu.memref_slice %arg4[%dma_wait3A_23, %dma_wait3A_24] : memref<10240x128xf32, #tpu.memory_space<hbm>> -> memref<10240x128xf32, #tpu.memory_space<hbm>>
      tpu.wait_indirect_dma semaphore(%arg11 : memref<!tpu.dma_semaphore, #tpu.memory_space<semaphore_mem>>) src(%dma_wait3A_25 : memref<10240x128xf32, #tpu.memory_space<hbm>>) dst(%arg9 : memref<80x128xf32, #tpu.memory_space<vmem>>)
      "tpu.region"() ({
        %run_scoped3A = tpu.sem_alloc : memref<!tpu.dma_semaphore, #tpu.memory_space<semaphore_mem>>
        %dma_start3A_26 = arith.constant 0 : i32
        %dma_start3A_27 = tpu.memref_slice %arg8[%scan3A_15, %dma_start3A_26] : memref<63x80xi32, #tpu.memory_space<vmem>> -> memref<1x80xi32, #tpu.memory_space<vmem>>
        %dma_start3A_28 = tpu.memref_squeeze %dma_start3A_27 : memref<1x80xi32, #tpu.memory_space<vmem>> -> memref<80xi32, #tpu.memory_space<vmem>>
        %dma_start3A_29 = arith.constant 0 : i32
        %dma_start3A_30 = arith.constant 0 : i32
        %dma_start3A_31 = tpu.memref_slice %arg10[%dma_start3A_29, %dma_start3A_30] : memref<10240x128xf32, #tpu.memory_space<vmem_shared>> -> memref<10240x128xf32, #tpu.memory_space<vmem_shared>>
        tpu.enqueue_indirect_dma source(%arg9 : memref<80x128xf32, #tpu.memory_space<vmem>>) target(%dma_start3A_31 : memref<10240x128xf32, #tpu.memory_space<vmem_shared>>) offsets(%dma_start3A_28 : memref<80xi32, #tpu.memory_space<vmem>>) semaphore(%run_scoped3A : memref<!tpu.dma_semaphore, #tpu.memory_space<semaphore_mem>>) {add = true}
        %dma_wait3A_32 = arith.constant 0 : i32
        %dma_wait3A_33 = tpu.memref_slice %arg8[%scan3A_15, %dma_wait3A_32] : memref<63x80xi32, #tpu.memory_space<vmem>> -> memref<1x80xi32, #tpu.memory_space<vmem>>
        %dma_wait3A_34 = tpu.memref_squeeze %dma_wait3A_33 : memref<1x80xi32, #tpu.memory_space<vmem>> -> memref<80xi32, #tpu.memory_space<vmem>>
        %dma_wait3A_35 = arith.constant 0 : i32
        %dma_wait3A_36 = arith.constant 0 : i32
        %dma_wait3A_37 = tpu.memref_slice %arg10[%dma_wait3A_35, %dma_wait3A_36] : memref<10240x128xf32, #tpu.memory_space<vmem_shared>> -> memref<10240x128xf32, #tpu.memory_space<vmem_shared>>
        tpu.wait_indirect_dma semaphore(%run_scoped3A : memref<!tpu.dma_semaphore, #tpu.memory_space<semaphore_mem>>) src(%arg9 : memref<80x128xf32, #tpu.memory_space<vmem>>) dst(%dma_wait3A_37 : memref<10240x128xf32, #tpu.memory_space<vmem_shared>>)
        tpu.yield
      }) : () -> ()
    }
    %scan3A_9 = arith.constant 63 : i32
    %barrier3A_10 = arith.constant 0 : index
    tpu.barrier barrier_id(%barrier3A_10)
    %mul3A_11 = arith.constant 640 : i32
    %mul3A_12 = arith.muli %arg1, %mul3A_11 : i32
    %mul3A_13 = arith.constant 640 : i32
    %mul3A_14 = arith.muli %arg1, %mul3A_13 : i32
    "tpu.region"() ({
      %run_scoped3A = tpu.sem_alloc : memref<!tpu.dma_semaphore, #tpu.memory_space<semaphore_mem>>
      %dma_start3A = arith.constant 0 : i32
      %dma_start3A_15 = arith.constant 0 : i32
      %dma_start3A_16 = tpu.memref_slice %arg6[%arg0, %dma_start3A, %dma_start3A_15] : memref<2x10240x128xf32, #tpu.memory_space<hbm>> -> memref<1x10240x128xf32, #tpu.memory_space<hbm>>
      %dma_start3A_17 = tpu.memref_squeeze %dma_start3A_16 : memref<1x10240x128xf32, #tpu.memory_space<hbm>> -> memref<10240x128xf32, #tpu.memory_space<hbm>>
      %dma_start3A_18 = arith.constant 0 : i32
      %dma_start3A_19 = tpu.memref_slice %dma_start3A_17[%mul3A_14, %dma_start3A_18] : memref<10240x128xf32, #tpu.memory_space<hbm>> -> memref<640x128xf32, #tpu.memory_space<hbm>>
      %dma_start3A_20 = arith.constant 0 : i32
      %dma_start3A_21 = tpu.memref_slice %arg10[%mul3A_12, %dma_start3A_20] : memref<10240x128xf32, #tpu.memory_space<vmem_shared>> -> memref<640x128xf32, #tpu.memory_space<vmem_shared>>
      tpu.enqueue_dma source(%dma_start3A_21 : memref<640x128xf32, #tpu.memory_space<vmem_shared>>) target(%dma_start3A_19 : memref<640x128xf32, #tpu.memory_space<hbm>>) target_semaphore(%run_scoped3A : memref<!tpu.dma_semaphore, #tpu.memory_space<semaphore_mem>>)
      %dma_wait3A = arith.constant 0 : i32
      %dma_wait3A_22 = arith.constant 0 : i32
      %dma_wait3A_23 = tpu.memref_slice %arg6[%arg0, %dma_wait3A, %dma_wait3A_22] : memref<2x10240x128xf32, #tpu.memory_space<hbm>> -> memref<1x10240x128xf32, #tpu.memory_space<hbm>>
      %dma_wait3A_24 = tpu.memref_squeeze %dma_wait3A_23 : memref<1x10240x128xf32, #tpu.memory_space<hbm>> -> memref<10240x128xf32, #tpu.memory_space<hbm>>
      %dma_wait3A_25 = arith.constant 0 : i32
      %dma_wait3A_26 = tpu.memref_slice %dma_wait3A_24[%mul3A_14, %dma_wait3A_25] : memref<10240x128xf32, #tpu.memory_space<hbm>> -> memref<640x128xf32, #tpu.memory_space<hbm>>
      %dma_wait3A_27 = arith.constant 0 : i32
      %dma_wait3A_28 = tpu.memref_slice %arg10[%mul3A_12, %dma_wait3A_27] : memref<10240x128xf32, #tpu.memory_space<vmem_shared>> -> memref<640x128xf32, #tpu.memory_space<vmem_shared>>
      tpu.wait_dma2 semaphore(%run_scoped3A : memref<!tpu.dma_semaphore, #tpu.memory_space<semaphore_mem>>) src(%dma_wait3A_28 : memref<640x128xf32, #tpu.memory_space<vmem_shared>>) dst(%dma_wait3A_26 : memref<640x128xf32, #tpu.memory_space<hbm>>)
      tpu.yield
    }) : () -> ()
    return
  }
}

#map = affine_map<(d0, d1) -> (0, 0, 0)>
#map1 = affine_map<(d0, d1) -> (0, 0)>
module attributes {stable_mosaic.version = 14 : i64} {
  func.func @sck(%arg0: i32, %arg1: i32, %arg2: memref<32x63x80xi32, #tpu.memory_space<hbm>>, %arg3: memref<32x63x80xi32, #tpu.memory_space<hbm>>, %arg4: memref<10240x128xf32, #tpu.memory_space<hbm>>, %arg5: memref<10240x128xf32, #tpu.memory_space<hbm>>, %arg6: memref<2x10240x128xf32, #tpu.memory_space<hbm>>, %arg7: memref<63x80xi32, #tpu.memory_space<vmem>>, %arg8: memref<63x80xi32, #tpu.memory_space<vmem>>, %arg9: memref<80x128xf32, #tpu.memory_space<vmem>>, %arg10: memref<10240x128xf32, #tpu.memory_space<vmem_shared>>, %arg11: memref<!tpu.dma_semaphore, #tpu.memory_space<semaphore_mem>>) attributes {dimension_semantics = [#tpu.dimension_semantics<core_parallel>, #tpu.dimension_semantics<subcore_parallel>], iteration_bounds = array<i64: 2, 16>, scalar_prefetch = 0 : i64, scratch_operands = 5 : i64, tpu.core_type = #tpu.core_type<sc_vector_subcore>, window_params = [{transform_indices = #map}, {transform_indices = #map}, {transform_indices = #map1}, {transform_indices = #map1}, {transform_indices = #map}]} {
    %mul3A = arith.constant 2 : i32
    %mul3A_0 = arith.muli %arg1, %mul3A : i32
    %add3A = arith.addi %mul3A_0, %arg0 : i32
    "tpu.region"() ({
      %run_scoped3A = tpu.sem_alloc : memref<!tpu.dma_semaphore, #tpu.memory_space<semaphore_mem>>
      %dma_start3A = arith.constant 0 : i32
      %dma_start3A_15 = arith.constant 0 : i32
      %dma_start3A_16 = tpu.memref_slice %arg2[%add3A, %dma_start3A, %dma_start3A_15] : memref<32x63x80xi32, #tpu.memory_space<hbm>> -> memref<1x63x80xi32, #tpu.memory_space<hbm>>
      %dma_start3A_17 = tpu.memref_squeeze %dma_start3A_16 : memref<1x63x80xi32, #tpu.memory_space<hbm>> -> memref<63x80xi32, #tpu.memory_space<hbm>>
      %dma_start3A_18 = arith.constant 0 : i32
      %dma_start3A_19 = arith.constant 0 : i32
      %dma_start3A_20 = tpu.memref_slice %arg2[%add3A, %dma_start3A_18, %dma_start3A_19] : memref<32x63x80xi32, #tpu.memory_space<hbm>> -> memref<1x63x80xi32, #tpu.memory_space<hbm>>
      %dma_start3A_21 = tpu.memref_squeeze %dma_start3A_20 : memref<1x63x80xi32, #tpu.memory_space<hbm>> -> memref<63x80xi32, #tpu.memory_space<hbm>>
      tpu.enqueue_dma source(%dma_start3A_21 : memref<63x80xi32, #tpu.memory_space<hbm>>) target(%arg7 : memref<63x80xi32, #tpu.memory_space<vmem>>) target_semaphore(%run_scoped3A : memref<!tpu.dma_semaphore, #tpu.memory_space<semaphore_mem>>)
      %dma_wait3A = arith.constant 0 : i32
      %dma_wait3A_22 = arith.constant 0 : i32
      %dma_wait3A_23 = tpu.memref_slice %arg2[%add3A, %dma_wait3A, %dma_wait3A_22] : memref<32x63x80xi32, #tpu.memory_space<hbm>> -> memref<1x63x80xi32, #tpu.memory_space<hbm>>
      %dma_wait3A_24 = tpu.memref_squeeze %dma_wait3A_23 : memref<1x63x80xi32, #tpu.memory_space<hbm>> -> memref<63x80xi32, #tpu.memory_space<hbm>>
      %dma_wait3A_25 = arith.constant 0 : i32
      %dma_wait3A_26 = arith.constant 0 : i32
      %dma_wait3A_27 = tpu.memref_slice %arg2[%add3A, %dma_wait3A_25, %dma_wait3A_26] : memref<32x63x80xi32, #tpu.memory_space<hbm>> -> memref<1x63x80xi32, #tpu.memory_space<hbm>>
      %dma_wait3A_28 = tpu.memref_squeeze %dma_wait3A_27 : memref<1x63x80xi32, #tpu.memory_space<hbm>> -> memref<63x80xi32, #tpu.memory_space<hbm>>
      tpu.wait_dma2 semaphore(%run_scoped3A : memref<!tpu.dma_semaphore, #tpu.memory_space<semaphore_mem>>) src(%dma_wait3A_28 : memref<63x80xi32, #tpu.memory_space<hbm>>) dst(%arg7 : memref<63x80xi32, #tpu.memory_space<vmem>>)
      tpu.yield
    }) : () -> ()
    "tpu.region"() ({
      %run_scoped3A = tpu.sem_alloc : memref<!tpu.dma_semaphore, #tpu.memory_space<semaphore_mem>>
      %dma_start3A = arith.constant 0 : i32
      %dma_start3A_15 = arith.constant 0 : i32
      %dma_start3A_16 = tpu.memref_slice %arg3[%add3A, %dma_start3A, %dma_start3A_15] : memref<32x63x80xi32, #tpu.memory_space<hbm>> -> memref<1x63x80xi32, #tpu.memory_space<hbm>>
      %dma_start3A_17 = tpu.memref_squeeze %dma_start3A_16 : memref<1x63x80xi32, #tpu.memory_space<hbm>> -> memref<63x80xi32, #tpu.memory_space<hbm>>
      %dma_start3A_18 = arith.constant 0 : i32
      %dma_start3A_19 = arith.constant 0 : i32
      %dma_start3A_20 = tpu.memref_slice %arg3[%add3A, %dma_start3A_18, %dma_start3A_19] : memref<32x63x80xi32, #tpu.memory_space<hbm>> -> memref<1x63x80xi32, #tpu.memory_space<hbm>>
      %dma_start3A_21 = tpu.memref_squeeze %dma_start3A_20 : memref<1x63x80xi32, #tpu.memory_space<hbm>> -> memref<63x80xi32, #tpu.memory_space<hbm>>
      tpu.enqueue_dma source(%dma_start3A_21 : memref<63x80xi32, #tpu.memory_space<hbm>>) target(%arg8 : memref<63x80xi32, #tpu.memory_space<vmem>>) target_semaphore(%run_scoped3A : memref<!tpu.dma_semaphore, #tpu.memory_space<semaphore_mem>>)
      %dma_wait3A = arith.constant 0 : i32
      %dma_wait3A_22 = arith.constant 0 : i32
      %dma_wait3A_23 = tpu.memref_slice %arg3[%add3A, %dma_wait3A, %dma_wait3A_22] : memref<32x63x80xi32, #tpu.memory_space<hbm>> -> memref<1x63x80xi32, #tpu.memory_space<hbm>>
      %dma_wait3A_24 = tpu.memref_squeeze %dma_wait3A_23 : memref<1x63x80xi32, #tpu.memory_space<hbm>> -> memref<63x80xi32, #tpu.memory_space<hbm>>
      %dma_wait3A_25 = arith.constant 0 : i32
      %dma_wait3A_26 = arith.constant 0 : i32
      %dma_wait3A_27 = tpu.memref_slice %arg3[%add3A, %dma_wait3A_25, %dma_wait3A_26] : memref<32x63x80xi32, #tpu.memory_space<hbm>> -> memref<1x63x80xi32, #tpu.memory_space<hbm>>
      %dma_wait3A_28 = tpu.memref_squeeze %dma_wait3A_27 : memref<1x63x80xi32, #tpu.memory_space<hbm>> -> memref<63x80xi32, #tpu.memory_space<hbm>>
      tpu.wait_dma2 semaphore(%run_scoped3A : memref<!tpu.dma_semaphore, #tpu.memory_space<semaphore_mem>>) src(%dma_wait3A_28 : memref<63x80xi32, #tpu.memory_space<hbm>>) dst(%arg8 : memref<63x80xi32, #tpu.memory_space<vmem>>)
      tpu.yield
    }) : () -> ()
    %mul3A_1 = arith.constant 640 : i32
    %mul3A_2 = arith.muli %arg1, %mul3A_1 : i32
    %mul3A_3 = arith.constant 640 : i32
    %mul3A_4 = arith.muli %arg1, %mul3A_3 : i32
    "tpu.region"() ({
      %run_scoped3A = tpu.sem_alloc : memref<!tpu.dma_semaphore, #tpu.memory_space<semaphore_mem>>
      %dma_start3A = arith.constant 0 : i32
      %dma_start3A_15 = tpu.memref_slice %arg10[%mul3A_4, %dma_start3A] : memref<10240x128xf32, #tpu.memory_space<vmem_shared>> -> memref<640x128xf32, #tpu.memory_space<vmem_shared>>
      %dma_start3A_16 = arith.constant 0 : i32
      %dma_start3A_17 = tpu.memref_slice %arg5[%mul3A_2, %dma_start3A_16] : memref<10240x128xf32, #tpu.memory_space<hbm>> -> memref<640x128xf32, #tpu.memory_space<hbm>>
      tpu.enqueue_dma source(%dma_start3A_17 : memref<640x128xf32, #tpu.memory_space<hbm>>) target(%dma_start3A_15 : memref<640x128xf32, #tpu.memory_space<vmem_shared>>) target_semaphore(%run_scoped3A : memref<!tpu.dma_semaphore, #tpu.memory_space<semaphore_mem>>)
      %dma_wait3A = arith.constant 0 : i32
      %dma_wait3A_18 = tpu.memref_slice %arg10[%mul3A_4, %dma_wait3A] : memref<10240x128xf32, #tpu.memory_space<vmem_shared>> -> memref<640x128xf32, #tpu.memory_space<vmem_shared>>
      %dma_wait3A_19 = arith.constant 0 : i32
      %dma_wait3A_20 = tpu.memref_slice %arg5[%mul3A_2, %dma_wait3A_19] : memref<10240x128xf32, #tpu.memory_space<hbm>> -> memref<640x128xf32, #tpu.memory_space<hbm>>
      tpu.wait_dma2 semaphore(%run_scoped3A : memref<!tpu.dma_semaphore, #tpu.memory_space<semaphore_mem>>) src(%dma_wait3A_20 : memref<640x128xf32, #tpu.memory_space<hbm>>) dst(%dma_wait3A_18 : memref<640x128xf32, #tpu.memory_space<vmem_shared>>)
      tpu.yield
    }) : () -> ()
    %barrier3A = arith.constant 0 : index
    tpu.barrier barrier_id(%barrier3A)
    %scan3A = arith.constant 0 : i32
    %scan3A_5 = arith.constant 0 : i32
    %scan3A_6 = arith.constant 63 : i32
    %scan3A_7 = arith.addi %scan3A_5, %scan3A_6 : i32
    %scan3A_8 = arith.constant 1 : i32
    scf.for %scan3A_15 = %scan3A_5 to %scan3A_7 step %scan3A_8  : i32 {
      %dma_start3A = arith.constant 0 : i32
      %dma_start3A_16 = tpu.memref_slice %arg7[%scan3A_15, %dma_start3A] : memref<63x80xi32, #tpu.memory_space<vmem>> -> memref<1x80xi32, #tpu.memory_space<vmem>>
      %dma_start3A_17 = tpu.memref_squeeze %dma_start3A_16 : memref<1x80xi32, #tpu.memory_space<vmem>> -> memref<80xi32, #tpu.memory_space<vmem>>
      %dma_start3A_18 = arith.constant 0 : i32
      %dma_start3A_19 = arith.constant 0 : i32
      %dma_start3A_20 = tpu.memref_slice %arg4[%dma_start3A_18, %dma_start3A_19] : memref<10240x128xf32, #tpu.memory_space<hbm>> -> memref<10240x128xf32, #tpu.memory_space<hbm>>
      tpu.enqueue_indirect_dma source(%dma_start3A_20 : memref<10240x128xf32, #tpu.memory_space<hbm>>) target(%arg9 : memref<80x128xf32, #tpu.memory_space<vmem>>) offsets(%dma_start3A_17 : memref<80xi32, #tpu.memory_space<vmem>>) semaphore(%arg11 : memref<!tpu.dma_semaphore, #tpu.memory_space<semaphore_mem>>)
      %dma_wait3A = arith.constant 0 : i32
      %dma_wait3A_21 = tpu.memref_slice %arg7[%scan3A_15, %dma_wait3A] : memref<63x80xi32, #tpu.memory_space<vmem>> -> memref<1x80xi32, #tpu.memory_space<vmem>>
      %dma_wait3A_22 = tpu.memref_squeeze %dma_wait3A_21 : memref<1x80xi32, #tpu.memory_space<vmem>> -> memref<80xi32, #tpu.memory_space<vmem>>
      %dma_wait3A_23 = arith.constant 0 : i32
      %dma_wait3A_24 = arith.constant 0 : i32
      %dma_wait3A_25 = tpu.memref_slice %arg4[%dma_wait3A_23, %dma_wait3A_24] : memref<10240x128xf32, #tpu.memory_space<hbm>> -> memref<10240x128xf32, #tpu.memory_space<hbm>>
      tpu.wait_indirect_dma semaphore(%arg11 : memref<!tpu.dma_semaphore, #tpu.memory_space<semaphore_mem>>) src(%dma_wait3A_25 : memref<10240x128xf32, #tpu.memory_space<hbm>>) dst(%arg9 : memref<80x128xf32, #tpu.memory_space<vmem>>)
      "tpu.region"() ({
        %run_scoped3A = tpu.sem_alloc : memref<!tpu.dma_semaphore, #tpu.memory_space<semaphore_mem>>
        %dma_start3A_26 = arith.constant 0 : i32
        %dma_start3A_27 = tpu.memref_slice %arg8[%scan3A_15, %dma_start3A_26] : memref<63x80xi32, #tpu.memory_space<vmem>> -> memref<1x80xi32, #tpu.memory_space<vmem>>
        %dma_start3A_28 = tpu.memref_squeeze %dma_start3A_27 : memref<1x80xi32, #tpu.memory_space<vmem>> -> memref<80xi32, #tpu.memory_space<vmem>>
        %dma_start3A_29 = arith.constant 0 : i32
        %dma_start3A_30 = arith.constant 0 : i32
        %dma_start3A_31 = tpu.memref_slice %arg10[%dma_start3A_29, %dma_start3A_30] : memref<10240x128xf32, #tpu.memory_space<vmem_shared>> -> memref<10240x128xf32, #tpu.memory_space<vmem_shared>>
        tpu.enqueue_indirect_dma source(%arg9 : memref<80x128xf32, #tpu.memory_space<vmem>>) target(%dma_start3A_31 : memref<10240x128xf32, #tpu.memory_space<vmem_shared>>) offsets(%dma_start3A_28 : memref<80xi32, #tpu.memory_space<vmem>>) semaphore(%run_scoped3A : memref<!tpu.dma_semaphore, #tpu.memory_space<semaphore_mem>>) {add = true}
        %dma_wait3A_32 = arith.constant 0 : i32
        %dma_wait3A_33 = tpu.memref_slice %arg8[%scan3A_15, %dma_wait3A_32] : memref<63x80xi32, #tpu.memory_space<vmem>> -> memref<1x80xi32, #tpu.memory_space<vmem>>
        %dma_wait3A_34 = tpu.memref_squeeze %dma_wait3A_33 : memref<1x80xi32, #tpu.memory_space<vmem>> -> memref<80xi32, #tpu.memory_space<vmem>>
        %dma_wait3A_35 = arith.constant 0 : i32
        %dma_wait3A_36 = arith.constant 0 : i32
        %dma_wait3A_37 = tpu.memref_slice %arg10[%dma_wait3A_35, %dma_wait3A_36] : memref<10240x128xf32, #tpu.memory_space<vmem_shared>> -> memref<10240x128xf32, #tpu.memory_space<vmem_shared>>
        tpu.wait_indirect_dma semaphore(%run_scoped3A : memref<!tpu.dma_semaphore, #tpu.memory_space<semaphore_mem>>) src(%arg9 : memref<80x128xf32, #tpu.memory_space<vmem>>) dst(%dma_wait3A_37 : memref<10240x128xf32, #tpu.memory_space<vmem_shared>>)
        tpu.yield
      }) : () -> ()
    }
    %scan3A_9 = arith.constant 63 : i32
    %barrier3A_10 = arith.constant 0 : index
    tpu.barrier barrier_id(%barrier3A_10)
    %mul3A_11 = arith.constant 640 : i32
    %mul3A_12 = arith.muli %arg1, %mul3A_11 : i32
    %mul3A_13 = arith.constant 640 : i32
    %mul3A_14 = arith.muli %arg1, %mul3A_13 : i32
    "tpu.region"() ({
      %run_scoped3A = tpu.sem_alloc : memref<!tpu.dma_semaphore, #tpu.memory_space<semaphore_mem>>
      %dma_start3A = arith.constant 0 : i32
      %dma_start3A_15 = arith.constant 0 : i32
      %dma_start3A_16 = tpu.memref_slice %arg6[%arg0, %dma_start3A, %dma_start3A_15] : memref<2x10240x128xf32, #tpu.memory_space<hbm>> -> memref<1x10240x128xf32, #tpu.memory_space<hbm>>
      %dma_start3A_17 = tpu.memref_squeeze %dma_start3A_16 : memref<1x10240x128xf32, #tpu.memory_space<hbm>> -> memref<10240x128xf32, #tpu.memory_space<hbm>>
      %dma_start3A_18 = arith.constant 0 : i32
      %dma_start3A_19 = tpu.memref_slice %dma_start3A_17[%mul3A_14, %dma_start3A_18] : memref<10240x128xf32, #tpu.memory_space<hbm>> -> memref<640x128xf32, #tpu.memory_space<hbm>>
      %dma_start3A_20 = arith.constant 0 : i32
      %dma_start3A_21 = tpu.memref_slice %arg10[%mul3A_12, %dma_start3A_20] : memref<10240x128xf32, #tpu.memory_space<vmem_shared>> -> memref<640x128xf32, #tpu.memory_space<vmem_shared>>
      tpu.enqueue_dma source(%dma_start3A_21 : memref<640x128xf32, #tpu.memory_space<vmem_shared>>) target(%dma_start3A_19 : memref<640x128xf32, #tpu.memory_space<hbm>>) target_semaphore(%run_scoped3A : memref<!tpu.dma_semaphore, #tpu.memory_space<semaphore_mem>>)
      %dma_wait3A = arith.constant 0 : i32
      %dma_wait3A_22 = arith.constant 0 : i32
      %dma_wait3A_23 = tpu.memref_slice %arg6[%arg0, %dma_wait3A, %dma_wait3A_22] : memref<2x10240x128xf32, #tpu.memory_space<hbm>> -> memref<1x10240x128xf32, #tpu.memory_space<hbm>>
      %dma_wait3A_24 = tpu.memref_squeeze %dma_wait3A_23 : memref<1x10240x128xf32, #tpu.memory_space<hbm>> -> memref<10240x128xf32, #tpu.memory_space<hbm>>
      %dma_wait3A_25 = arith.constant 0 : i32
      %dma_wait3A_26 = tpu.memref_slice %dma_wait3A_24[%mul3A_14, %dma_wait3A_25] : memref<10240x128xf32, #tpu.memory_space<hbm>> -> memref<640x128xf32, #tpu.memory_space<hbm>>
      %dma_wait3A_27 = arith.constant 0 : i32
      %dma_wait3A_28 = tpu.memref_slice %arg10[%mul3A_12, %dma_wait3A_27] : memref<10240x128xf32, #tpu.memory_space<vmem_shared>> -> memref<640x128xf32, #tpu.memory_space<vmem_shared>>
      tpu.wait_dma2 semaphore(%run_scoped3A : memref<!tpu.dma_semaphore, #tpu.memory_space<semaphore_mem>>) src(%dma_wait3A_28 : memref<640x128xf32, #tpu.memory_space<vmem_shared>>) dst(%dma_wait3A_26 : memref<640x128xf32, #tpu.memory_space<hbm>>)
      tpu.yield
    }) : () -> ()
    return
  }
}

#map = affine_map<(d0, d1) -> (0, 0, 0)>
#map1 = affine_map<(d0, d1) -> (0, 0)>
module attributes {stable_mosaic.version = 14 : i64} {
  func.func @sck(%arg0: i32, %arg1: i32, %arg2: memref<32x63x80xi32, #tpu.memory_space<hbm>>, %arg3: memref<32x63x80xi32, #tpu.memory_space<hbm>>, %arg4: memref<10240x128xf32, #tpu.memory_space<hbm>>, %arg5: memref<10240x128xf32, #tpu.memory_space<hbm>>, %arg6: memref<2x10240x128xf32, #tpu.memory_space<hbm>>, %arg7: memref<63x80xi32, #tpu.memory_space<vmem>>, %arg8: memref<63x80xi32, #tpu.memory_space<vmem>>, %arg9: memref<80x128xf32, #tpu.memory_space<vmem>>, %arg10: memref<10240x128xf32, #tpu.memory_space<vmem_shared>>, %arg11: memref<!tpu.dma_semaphore, #tpu.memory_space<semaphore_mem>>) attributes {dimension_semantics = [#tpu.dimension_semantics<core_parallel>, #tpu.dimension_semantics<subcore_parallel>], iteration_bounds = array<i64: 2, 16>, scalar_prefetch = 0 : i64, scratch_operands = 5 : i64, tpu.core_type = #tpu.core_type<sc_vector_subcore>, window_params = [{transform_indices = #map}, {transform_indices = #map}, {transform_indices = #map1}, {transform_indices = #map1}, {transform_indices = #map}]} {
    %mul3A = arith.constant 2 : i32
    %mul3A_0 = arith.muli %arg1, %mul3A : i32
    %add3A = arith.addi %mul3A_0, %arg0 : i32
    "tpu.region"() ({
      %run_scoped3A = tpu.sem_alloc : memref<!tpu.dma_semaphore, #tpu.memory_space<semaphore_mem>>
      %dma_start3A = arith.constant 0 : i32
      %dma_start3A_15 = arith.constant 0 : i32
      %dma_start3A_16 = tpu.memref_slice %arg2[%add3A, %dma_start3A, %dma_start3A_15] : memref<32x63x80xi32, #tpu.memory_space<hbm>> -> memref<1x63x80xi32, #tpu.memory_space<hbm>>
      %dma_start3A_17 = tpu.memref_squeeze %dma_start3A_16 : memref<1x63x80xi32, #tpu.memory_space<hbm>> -> memref<63x80xi32, #tpu.memory_space<hbm>>
      %dma_start3A_18 = arith.constant 0 : i32
      %dma_start3A_19 = arith.constant 0 : i32
      %dma_start3A_20 = tpu.memref_slice %arg2[%add3A, %dma_start3A_18, %dma_start3A_19] : memref<32x63x80xi32, #tpu.memory_space<hbm>> -> memref<1x63x80xi32, #tpu.memory_space<hbm>>
      %dma_start3A_21 = tpu.memref_squeeze %dma_start3A_20 : memref<1x63x80xi32, #tpu.memory_space<hbm>> -> memref<63x80xi32, #tpu.memory_space<hbm>>
      tpu.enqueue_dma source(%dma_start3A_21 : memref<63x80xi32, #tpu.memory_space<hbm>>) target(%arg7 : memref<63x80xi32, #tpu.memory_space<vmem>>) target_semaphore(%run_scoped3A : memref<!tpu.dma_semaphore, #tpu.memory_space<semaphore_mem>>)
      %dma_wait3A = arith.constant 0 : i32
      %dma_wait3A_22 = arith.constant 0 : i32
      %dma_wait3A_23 = tpu.memref_slice %arg2[%add3A, %dma_wait3A, %dma_wait3A_22] : memref<32x63x80xi32, #tpu.memory_space<hbm>> -> memref<1x63x80xi32, #tpu.memory_space<hbm>>
      %dma_wait3A_24 = tpu.memref_squeeze %dma_wait3A_23 : memref<1x63x80xi32, #tpu.memory_space<hbm>> -> memref<63x80xi32, #tpu.memory_space<hbm>>
      %dma_wait3A_25 = arith.constant 0 : i32
      %dma_wait3A_26 = arith.constant 0 : i32
      %dma_wait3A_27 = tpu.memref_slice %arg2[%add3A, %dma_wait3A_25, %dma_wait3A_26] : memref<32x63x80xi32, #tpu.memory_space<hbm>> -> memref<1x63x80xi32, #tpu.memory_space<hbm>>
      %dma_wait3A_28 = tpu.memref_squeeze %dma_wait3A_27 : memref<1x63x80xi32, #tpu.memory_space<hbm>> -> memref<63x80xi32, #tpu.memory_space<hbm>>
      tpu.wait_dma2 semaphore(%run_scoped3A : memref<!tpu.dma_semaphore, #tpu.memory_space<semaphore_mem>>) src(%dma_wait3A_28 : memref<63x80xi32, #tpu.memory_space<hbm>>) dst(%arg7 : memref<63x80xi32, #tpu.memory_space<vmem>>)
      tpu.yield
    }) : () -> ()
    "tpu.region"() ({
      %run_scoped3A = tpu.sem_alloc : memref<!tpu.dma_semaphore, #tpu.memory_space<semaphore_mem>>
      %dma_start3A = arith.constant 0 : i32
      %dma_start3A_15 = arith.constant 0 : i32
      %dma_start3A_16 = tpu.memref_slice %arg3[%add3A, %dma_start3A, %dma_start3A_15] : memref<32x63x80xi32, #tpu.memory_space<hbm>> -> memref<1x63x80xi32, #tpu.memory_space<hbm>>
      %dma_start3A_17 = tpu.memref_squeeze %dma_start3A_16 : memref<1x63x80xi32, #tpu.memory_space<hbm>> -> memref<63x80xi32, #tpu.memory_space<hbm>>
      %dma_start3A_18 = arith.constant 0 : i32
      %dma_start3A_19 = arith.constant 0 : i32
      %dma_start3A_20 = tpu.memref_slice %arg3[%add3A, %dma_start3A_18, %dma_start3A_19] : memref<32x63x80xi32, #tpu.memory_space<hbm>> -> memref<1x63x80xi32, #tpu.memory_space<hbm>>
      %dma_start3A_21 = tpu.memref_squeeze %dma_start3A_20 : memref<1x63x80xi32, #tpu.memory_space<hbm>> -> memref<63x80xi32, #tpu.memory_space<hbm>>
      tpu.enqueue_dma source(%dma_start3A_21 : memref<63x80xi32, #tpu.memory_space<hbm>>) target(%arg8 : memref<63x80xi32, #tpu.memory_space<vmem>>) target_semaphore(%run_scoped3A : memref<!tpu.dma_semaphore, #tpu.memory_space<semaphore_mem>>)
      %dma_wait3A = arith.constant 0 : i32
      %dma_wait3A_22 = arith.constant 0 : i32
      %dma_wait3A_23 = tpu.memref_slice %arg3[%add3A, %dma_wait3A, %dma_wait3A_22] : memref<32x63x80xi32, #tpu.memory_space<hbm>> -> memref<1x63x80xi32, #tpu.memory_space<hbm>>
      %dma_wait3A_24 = tpu.memref_squeeze %dma_wait3A_23 : memref<1x63x80xi32, #tpu.memory_space<hbm>> -> memref<63x80xi32, #tpu.memory_space<hbm>>
      %dma_wait3A_25 = arith.constant 0 : i32
      %dma_wait3A_26 = arith.constant 0 : i32
      %dma_wait3A_27 = tpu.memref_slice %arg3[%add3A, %dma_wait3A_25, %dma_wait3A_26] : memref<32x63x80xi32, #tpu.memory_space<hbm>> -> memref<1x63x80xi32, #tpu.memory_space<hbm>>
      %dma_wait3A_28 = tpu.memref_squeeze %dma_wait3A_27 : memref<1x63x80xi32, #tpu.memory_space<hbm>> -> memref<63x80xi32, #tpu.memory_space<hbm>>
      tpu.wait_dma2 semaphore(%run_scoped3A : memref<!tpu.dma_semaphore, #tpu.memory_space<semaphore_mem>>) src(%dma_wait3A_28 : memref<63x80xi32, #tpu.memory_space<hbm>>) dst(%arg8 : memref<63x80xi32, #tpu.memory_space<vmem>>)
      tpu.yield
    }) : () -> ()
    %mul3A_1 = arith.constant 640 : i32
    %mul3A_2 = arith.muli %arg1, %mul3A_1 : i32
    %mul3A_3 = arith.constant 640 : i32
    %mul3A_4 = arith.muli %arg1, %mul3A_3 : i32
    "tpu.region"() ({
      %run_scoped3A = tpu.sem_alloc : memref<!tpu.dma_semaphore, #tpu.memory_space<semaphore_mem>>
      %dma_start3A = arith.constant 0 : i32
      %dma_start3A_15 = tpu.memref_slice %arg10[%mul3A_4, %dma_start3A] : memref<10240x128xf32, #tpu.memory_space<vmem_shared>> -> memref<640x128xf32, #tpu.memory_space<vmem_shared>>
      %dma_start3A_16 = arith.constant 0 : i32
      %dma_start3A_17 = tpu.memref_slice %arg5[%mul3A_2, %dma_start3A_16] : memref<10240x128xf32, #tpu.memory_space<hbm>> -> memref<640x128xf32, #tpu.memory_space<hbm>>
      tpu.enqueue_dma source(%dma_start3A_17 : memref<640x128xf32, #tpu.memory_space<hbm>>) target(%dma_start3A_15 : memref<640x128xf32, #tpu.memory_space<vmem_shared>>) target_semaphore(%run_scoped3A : memref<!tpu.dma_semaphore, #tpu.memory_space<semaphore_mem>>)
      %dma_wait3A = arith.constant 0 : i32
      %dma_wait3A_18 = tpu.memref_slice %arg10[%mul3A_4, %dma_wait3A] : memref<10240x128xf32, #tpu.memory_space<vmem_shared>> -> memref<640x128xf32, #tpu.memory_space<vmem_shared>>
      %dma_wait3A_19 = arith.constant 0 : i32
      %dma_wait3A_20 = tpu.memref_slice %arg5[%mul3A_2, %dma_wait3A_19] : memref<10240x128xf32, #tpu.memory_space<hbm>> -> memref<640x128xf32, #tpu.memory_space<hbm>>
      tpu.wait_dma2 semaphore(%run_scoped3A : memref<!tpu.dma_semaphore, #tpu.memory_space<semaphore_mem>>) src(%dma_wait3A_20 : memref<640x128xf32, #tpu.memory_space<hbm>>) dst(%dma_wait3A_18 : memref<640x128xf32, #tpu.memory_space<vmem_shared>>)
      tpu.yield
    }) : () -> ()
    %barrier3A = arith.constant 0 : index
    tpu.barrier barrier_id(%barrier3A)
    %scan3A = arith.constant 0 : i32
    %scan3A_5 = arith.constant 0 : i32
    %scan3A_6 = arith.constant 63 : i32
    %scan3A_7 = arith.addi %scan3A_5, %scan3A_6 : i32
    %scan3A_8 = arith.constant 1 : i32
    scf.for %scan3A_15 = %scan3A_5 to %scan3A_7 step %scan3A_8  : i32 {
      %dma_start3A = arith.constant 0 : i32
      %dma_start3A_16 = tpu.memref_slice %arg7[%scan3A_15, %dma_start3A] : memref<63x80xi32, #tpu.memory_space<vmem>> -> memref<1x80xi32, #tpu.memory_space<vmem>>
      %dma_start3A_17 = tpu.memref_squeeze %dma_start3A_16 : memref<1x80xi32, #tpu.memory_space<vmem>> -> memref<80xi32, #tpu.memory_space<vmem>>
      %dma_start3A_18 = arith.constant 0 : i32
      %dma_start3A_19 = arith.constant 0 : i32
      %dma_start3A_20 = tpu.memref_slice %arg4[%dma_start3A_18, %dma_start3A_19] : memref<10240x128xf32, #tpu.memory_space<hbm>> -> memref<10240x128xf32, #tpu.memory_space<hbm>>
      tpu.enqueue_indirect_dma source(%dma_start3A_20 : memref<10240x128xf32, #tpu.memory_space<hbm>>) target(%arg9 : memref<80x128xf32, #tpu.memory_space<vmem>>) offsets(%dma_start3A_17 : memref<80xi32, #tpu.memory_space<vmem>>) semaphore(%arg11 : memref<!tpu.dma_semaphore, #tpu.memory_space<semaphore_mem>>)
      %dma_wait3A = arith.constant 0 : i32
      %dma_wait3A_21 = tpu.memref_slice %arg7[%scan3A_15, %dma_wait3A] : memref<63x80xi32, #tpu.memory_space<vmem>> -> memref<1x80xi32, #tpu.memory_space<vmem>>
      %dma_wait3A_22 = tpu.memref_squeeze %dma_wait3A_21 : memref<1x80xi32, #tpu.memory_space<vmem>> -> memref<80xi32, #tpu.memory_space<vmem>>
      %dma_wait3A_23 = arith.constant 0 : i32
      %dma_wait3A_24 = arith.constant 0 : i32
      %dma_wait3A_25 = tpu.memref_slice %arg4[%dma_wait3A_23, %dma_wait3A_24] : memref<10240x128xf32, #tpu.memory_space<hbm>> -> memref<10240x128xf32, #tpu.memory_space<hbm>>
      tpu.wait_indirect_dma semaphore(%arg11 : memref<!tpu.dma_semaphore, #tpu.memory_space<semaphore_mem>>) src(%dma_wait3A_25 : memref<10240x128xf32, #tpu.memory_space<hbm>>) dst(%arg9 : memref<80x128xf32, #tpu.memory_space<vmem>>)
      "tpu.region"() ({
        %run_scoped3A = tpu.sem_alloc : memref<!tpu.dma_semaphore, #tpu.memory_space<semaphore_mem>>
        %dma_start3A_26 = arith.constant 0 : i32
        %dma_start3A_27 = tpu.memref_slice %arg8[%scan3A_15, %dma_start3A_26] : memref<63x80xi32, #tpu.memory_space<vmem>> -> memref<1x80xi32, #tpu.memory_space<vmem>>
        %dma_start3A_28 = tpu.memref_squeeze %dma_start3A_27 : memref<1x80xi32, #tpu.memory_space<vmem>> -> memref<80xi32, #tpu.memory_space<vmem>>
        %dma_start3A_29 = arith.constant 0 : i32
        %dma_start3A_30 = arith.constant 0 : i32
        %dma_start3A_31 = tpu.memref_slice %arg10[%dma_start3A_29, %dma_start3A_30] : memref<10240x128xf32, #tpu.memory_space<vmem_shared>> -> memref<10240x128xf32, #tpu.memory_space<vmem_shared>>
        tpu.enqueue_indirect_dma source(%arg9 : memref<80x128xf32, #tpu.memory_space<vmem>>) target(%dma_start3A_31 : memref<10240x128xf32, #tpu.memory_space<vmem_shared>>) offsets(%dma_start3A_28 : memref<80xi32, #tpu.memory_space<vmem>>) semaphore(%run_scoped3A : memref<!tpu.dma_semaphore, #tpu.memory_space<semaphore_mem>>) {add = true}
        %dma_wait3A_32 = arith.constant 0 : i32
        %dma_wait3A_33 = tpu.memref_slice %arg8[%scan3A_15, %dma_wait3A_32] : memref<63x80xi32, #tpu.memory_space<vmem>> -> memref<1x80xi32, #tpu.memory_space<vmem>>
        %dma_wait3A_34 = tpu.memref_squeeze %dma_wait3A_33 : memref<1x80xi32, #tpu.memory_space<vmem>> -> memref<80xi32, #tpu.memory_space<vmem>>
        %dma_wait3A_35 = arith.constant 0 : i32
        %dma_wait3A_36 = arith.constant 0 : i32
        %dma_wait3A_37 = tpu.memref_slice %arg10[%dma_wait3A_35, %dma_wait3A_36] : memref<10240x128xf32, #tpu.memory_space<vmem_shared>> -> memref<10240x128xf32, #tpu.memory_space<vmem_shared>>
        tpu.wait_indirect_dma semaphore(%run_scoped3A : memref<!tpu.dma_semaphore, #tpu.memory_space<semaphore_mem>>) src(%arg9 : memref<80x128xf32, #tpu.memory_space<vmem>>) dst(%dma_wait3A_37 : memref<10240x128xf32, #tpu.memory_space<vmem_shared>>)
        tpu.yield
      }) : () -> ()
    }
    %scan3A_9 = arith.constant 63 : i32
    %barrier3A_10 = arith.constant 0 : index
    tpu.barrier barrier_id(%barrier3A_10)
    %mul3A_11 = arith.constant 640 : i32
    %mul3A_12 = arith.muli %arg1, %mul3A_11 : i32
    %mul3A_13 = arith.constant 640 : i32
    %mul3A_14 = arith.muli %arg1, %mul3A_13 : i32
    "tpu.region"() ({
      %run_scoped3A = tpu.sem_alloc : memref<!tpu.dma_semaphore, #tpu.memory_space<semaphore_mem>>
      %dma_start3A = arith.constant 0 : i32
      %dma_start3A_15 = arith.constant 0 : i32
      %dma_start3A_16 = tpu.memref_slice %arg6[%arg0, %dma_start3A, %dma_start3A_15] : memref<2x10240x128xf32, #tpu.memory_space<hbm>> -> memref<1x10240x128xf32, #tpu.memory_space<hbm>>
      %dma_start3A_17 = tpu.memref_squeeze %dma_start3A_16 : memref<1x10240x128xf32, #tpu.memory_space<hbm>> -> memref<10240x128xf32, #tpu.memory_space<hbm>>
      %dma_start3A_18 = arith.constant 0 : i32
      %dma_start3A_19 = tpu.memref_slice %dma_start3A_17[%mul3A_14, %dma_start3A_18] : memref<10240x128xf32, #tpu.memory_space<hbm>> -> memref<640x128xf32, #tpu.memory_space<hbm>>
      %dma_start3A_20 = arith.constant 0 : i32
      %dma_start3A_21 = tpu.memref_slice %arg10[%mul3A_12, %dma_start3A_20] : memref<10240x128xf32, #tpu.memory_space<vmem_shared>> -> memref<640x128xf32, #tpu.memory_space<vmem_shared>>
      tpu.enqueue_dma source(%dma_start3A_21 : memref<640x128xf32, #tpu.memory_space<vmem_shared>>) target(%dma_start3A_19 : memref<640x128xf32, #tpu.memory_space<hbm>>) target_semaphore(%run_scoped3A : memref<!tpu.dma_semaphore, #tpu.memory_space<semaphore_mem>>)
      %dma_wait3A = arith.constant 0 : i32
      %dma_wait3A_22 = arith.constant 0 : i32
      %dma_wait3A_23 = tpu.memref_slice %arg6[%arg0, %dma_wait3A, %dma_wait3A_22] : memref<2x10240x128xf32, #tpu.memory_space<hbm>> -> memref<1x10240x128xf32, #tpu.memory_space<hbm>>
      %dma_wait3A_24 = tpu.memref_squeeze %dma_wait3A_23 : memref<1x10240x128xf32, #tpu.memory_space<hbm>> -> memref<10240x128xf32, #tpu.memory_space<hbm>>
      %dma_wait3A_25 = arith.constant 0 : i32
      %dma_wait3A_26 = tpu.memref_slice %dma_wait3A_24[%mul3A_14, %dma_wait3A_25] : memref<10240x128xf32, #tpu.memory_space<hbm>> -> memref<640x128xf32, #tpu.memory_space<hbm>>
      %dma_wait3A_27 = arith.constant 0 : i32
      %dma_wait3A_28 = tpu.memref_slice %arg10[%mul3A_12, %dma_wait3A_27] : memref<10240x128xf32, #tpu.memory_space<vmem_shared>> -> memref<640x128xf32, #tpu.memory_space<vmem_shared>>
      tpu.wait_dma2 semaphore(%run_scoped3A : memref<!tpu.dma_semaphore, #tpu.memory_space<semaphore_mem>>) src(%dma_wait3A_28 : memref<640x128xf32, #tpu.memory_space<vmem_shared>>) dst(%dma_wait3A_26 : memref<640x128xf32, #tpu.memory_space<hbm>>)
      tpu.yield
    }) : () -> ()
    return
  }
}

module attributes {stable_mosaic.version = 14 : i64} {
  func.func @_tc1_body(%arg0: i32, %arg1: memref<512x256xf32, #tpu.memory_space<vmem>>, %arg2: memref<256x256xf32, #tpu.memory_space<vmem>>, %arg3: memref<512x128xf32, #tpu.memory_space<vmem>>, %arg4: memref<512x128xf32, #tpu.memory_space<vmem>>) attributes {dimension_semantics = [#tpu.dimension_semantics<arbitrary>], iteration_bounds = array<i64: 20>, scalar_prefetch = 0 : i64, scratch_operands = 0 : i64, tpu.core_type = #tpu.core_type<tc>, window_params = [{transform_indices = @transform_0, window_bounds = array<i64: 512, 256>}, {pipeline_mode = #tpu.pipeline_mode<synchronous>, transform_indices = @transform_1, window_bounds = array<i64: 256, 256>}, {transform_indices = @transform_2, window_bounds = array<i64: 512, 128>}, {transform_indices = @transform_3, window_bounds = array<i64: 512, 128>}]} {
    %get3A = arith.constant 0 : index
    %get3A_0 = arith.constant 0 : index
    %get3A_1 = vector.load %arg1[%get3A, %get3A_0] : memref<512x256xf32, #tpu.memory_space<vmem>>, vector<512x256xf32>
    %get3A_2 = arith.constant 0 : index
    %get3A_3 = arith.constant 0 : index
    %get3A_4 = vector.load %arg2[%get3A_2, %get3A_3] : memref<256x256xf32, #tpu.memory_space<vmem>>, vector<256x256xf32>
    %dot_general3A = arith.constant dense<0.000000e+00> : vector<512x256xf32>
    %dot_general3A_5 = tpu.matmul %get3A_1, %get3A_4, %dot_general3A {dimension_numbers = #tpu.dot_dimension_numbers<[1], [0], [0], [1], [0, 0, 1, 1], [], []>, transpose_lhs_hint = false} : vector<512x256xf32>, vector<256x256xf32>, vector<512x256xf32> -> vector<512x256xf32>
    %slice3A = vector.extract_strided_slice %dot_general3A_5 {offsets = [0, 0], sizes = [512, 128], strides = [1, 1]} : vector<512x256xf32> to vector<512x128xf32>
    %swap3A = arith.constant 0 : index
    %swap3A_6 = arith.constant 0 : index
    %swap3A_7 = vector.load %arg3[%swap3A, %swap3A_6] : memref<512x128xf32, #tpu.memory_space<vmem>>, vector<512x128xf32>
    tpu.vector_store %arg3[%swap3A, %swap3A_6], %slice3A {strides = array<i32>} : memref<512x128xf32, #tpu.memory_space<vmem>>, vector<512x128xf32>,
    %slice3A_8 = vector.extract_strided_slice %dot_general3A_5 {offsets = [0, 128], sizes = [512, 128], strides = [1, 1]} : vector<512x256xf32> to vector<512x128xf32>
    %swap3A_9 = arith.constant 0 : index
    %swap3A_10 = arith.constant 0 : index
    %swap3A_11 = vector.load %arg4[%swap3A_9, %swap3A_10] : memref<512x128xf32, #tpu.memory_space<vmem>>, vector<512x128xf32>
    tpu.vector_store %arg4[%swap3A_9, %swap3A_10], %slice3A_8 {strides = array<i32>} : memref<512x128xf32, #tpu.memory_space<vmem>>, vector<512x128xf32>,
    return
  }
  func.func @transform_0(%arg0: i32) -> (i32, i32) {
    %c0_i32 = arith.constant 0 : i32
    %c0_i32_0 = arith.constant 0 : i32
    return %arg0, %c0_i32 : i32, i32
  }
  func.func @transform_1(%arg0: i32) -> (i32, i32) {
    %c0_i32 = arith.constant 0 : i32
    %c0_i32_0 = arith.constant 0 : i32
    %c0_i32_1 = arith.constant 0 : i32
    return %c0_i32, %c0_i32_0 : i32, i32
  }
  func.func @transform_2(%arg0: i32) -> (i32, i32) {
    %c0_i32 = arith.constant 0 : i32
    %c0_i32_0 = arith.constant 0 : i32
    return %arg0, %c0_i32 : i32, i32
  }
  func.func @transform_3(%arg0: i32) -> (i32, i32) {
    %c0_i32 = arith.constant 0 : i32
    %c0_i32_0 = arith.constant 0 : i32
    return %arg0, %c0_i32 : i32, i32
  }
}

module attributes {stable_mosaic.version = 14 : i64} {
  func.func @_fuse2_body(%arg0: i32, %arg1: memref<512x128xf32, #tpu.memory_space<vmem>>, %arg2: memref<2x512x128xf32, #tpu.memory_space<vmem>>, %arg3: memref<2x512x128xf32, #tpu.memory_space<vmem>>, %arg4: memref<1x128xf32, #tpu.memory_space<vmem>>, %arg5: memref<512x128xf32, #tpu.memory_space<vmem>>) attributes {dimension_semantics = [#tpu.dimension_semantics<arbitrary>], iteration_bounds = array<i64: 20>, scalar_prefetch = 0 : i64, scratch_operands = 0 : i64, tpu.core_type = #tpu.core_type<tc>, window_params = [{transform_indices = @transform_0, window_bounds = array<i64: 512, 128>}, {transform_indices = @transform_1, window_bounds = array<i64: 2, 512, 128>}, {transform_indices = @transform_2, window_bounds = array<i64: 2, 512, 128>}, {pipeline_mode = #tpu.pipeline_mode<synchronous>, transform_indices = @transform_3, window_bounds = array<i64: 1, 128>}, {transform_indices = @transform_4, window_bounds = array<i64: 512, 128>}]} {
    %get3A = arith.constant 0 : index
    %get3A_0 = arith.constant 0 : index
    %get3A_1 = arith.constant 0 : index
    %get3A_2 = vector.load %arg3[%get3A, %get3A_0, %get3A_1] : memref<2x512x128xf32, #tpu.memory_space<vmem>>, vector<1x512x1xf32>
    %get3A_3 = vector.shape_cast %get3A_2 : vector<1x512x1xf32> to vector<512x1xf32>
    %get3A_4 = arith.constant 1 : index
    %get3A_5 = arith.constant 0 : index
    %get3A_6 = arith.constant 0 : index
    %get3A_7 = vector.load %arg3[%get3A_4, %get3A_5, %get3A_6] : memref<2x512x128xf32, #tpu.memory_space<vmem>>, vector<1x512x1xf32>
    %get3A_8 = vector.shape_cast %get3A_7 : vector<1x512x1xf32> to vector<512x1xf32>
    %add3A = arith.addf %get3A_3, %get3A_8 : vector<512x1xf32>
    %max3A = arith.constant 1.000000e+00 : f32
    %max3A_9 = vector.broadcast %max3A : f32 to vector<512x1xf32>
    %max3A_10 = arith.maximumf %add3A, %max3A_9 : vector<512x1xf32>
    %div3A = arith.constant 1.000000e+00 : f32
    %div3A_11 = vector.broadcast %div3A : f32 to vector<512x1xf32>
    %div3A_12 = arith.divf %div3A_11, %max3A_10 : vector<512x1xf32>
    %get3A_13 = arith.constant 0 : index
    %get3A_14 = arith.constant 0 : index
    %get3A_15 = arith.constant 0 : index
    %get3A_16 = vector.load %arg2[%get3A_13, %get3A_14, %get3A_15] : memref<2x512x128xf32, #tpu.memory_space<vmem>>, vector<1x512x128xf32>
    %get3A_17 = vector.shape_cast %get3A_16 : vector<1x512x128xf32> to vector<512x128xf32>
    %get3A_18 = arith.constant 1 : index
    %get3A_19 = arith.constant 0 : index
    %get3A_20 = arith.constant 0 : index
    %get3A_21 = vector.load %arg2[%get3A_18, %get3A_19, %get3A_20] : memref<2x512x128xf32, #tpu.memory_space<vmem>>, vector<1x512x128xf32>
    %get3A_22 = vector.shape_cast %get3A_21 : vector<1x512x128xf32> to vector<512x128xf32>
    %add3A_23 = arith.addf %get3A_17, %get3A_22 : vector<512x128xf32>
    %mul3A = vector.broadcast %div3A_12 : vector<512x1xf32> to vector<512x128xf32>
    %mul3A_24 = arith.mulf %add3A_23, %mul3A : vector<512x128xf32>
    %get3A_25 = arith.constant 0 : index
    %get3A_26 = arith.constant 0 : index
    %get3A_27 = vector.load %arg1[%get3A_25, %get3A_26] : memref<512x128xf32, #tpu.memory_space<vmem>>, vector<512x128xf32>
    %add3A_28 = arith.addf %get3A_27, %mul3A_24 : vector<512x128xf32>
    %get3A_29 = arith.constant 0 : index
    %get3A_30 = arith.constant 0 : index
    %get3A_31 = vector.load %arg4[%get3A_29, %get3A_30] : memref<1x128xf32, #tpu.memory_space<vmem>>, vector<1x128xf32>
    %add3A_32 = vector.broadcast %get3A_31 : vector<1x128xf32> to vector<512x128xf32>
    %add3A_33 = arith.addf %add3A_28, %add3A_32 : vector<512x128xf32>
    %max3A_34 = arith.constant 0.000000e+00 : f32
    %max3A_35 = vector.broadcast %max3A_34 : f32 to vector<512x128xf32>
    %max3A_36 = arith.maximumf %add3A_33, %max3A_35 : vector<512x128xf32>
    %swap3A = arith.constant 0 : index
    %swap3A_37 = arith.constant 0 : index
    %swap3A_38 = vector.load %arg5[%swap3A, %swap3A_37] : memref<512x128xf32, #tpu.memory_space<vmem>>, vector<512x128xf32>
    tpu.vector_store %arg5[%swap3A, %swap3A_37], %max3A_36 {strides = array<i32>} : memref<512x128xf32, #tpu.memory_space<vmem>>, vector<512x128xf32>,
    return
  }
  func.func @transform_0(%arg0: i32) -> (i32, i32) {
    %c0_i32 = arith.constant 0 : i32
    %c0_i32_0 = arith.constant 0 : i32
    return %arg0, %c0_i32 : i32, i32
  }
  func.func @transform_1(%arg0: i32) -> (i32, i32, i32) {
    %c0_i32 = arith.constant 0 : i32
    %c0_i32_0 = arith.constant 0 : i32
    %c0_i32_1 = arith.constant 0 : i32
    return %c0_i32, %arg0, %c0_i32_0 : i32, i32, i32
  }
  func.func @transform_2(%arg0: i32) -> (i32, i32, i32) {
    %c0_i32 = arith.constant 0 : i32
    %c0_i32_0 = arith.constant 0 : i32
    %c0_i32_1 = arith.constant 0 : i32
    return %c0_i32, %arg0, %c0_i32_0 : i32, i32, i32
  }
  func.func @transform_3(%arg0: i32) -> (i32, i32) {
    %c0_i32 = arith.constant 0 : i32
    %c0_i32_0 = arith.constant 0 : i32
    %c0_i32_1 = arith.constant 0 : i32
    return %c0_i32, %c0_i32_0 : i32, i32
  }
  func.func @transform_4(%arg0: i32) -> (i32, i32) {
    %c0_i32 = arith.constant 0 : i32
    %c0_i32_0 = arith.constant 0 : i32
    return %arg0, %c0_i32 : i32, i32
  }
}

module attributes {stable_mosaic.version = 14 : i64} {
  func.func @_fuse1_body(%arg0: i32, %arg1: memref<2x512x128xf32, #tpu.memory_space<vmem>>, %arg2: memref<2x512x128xf32, #tpu.memory_space<vmem>>, %arg3: memref<512x128xf32, #tpu.memory_space<vmem>>, %arg4: memref<512x128xf32, #tpu.memory_space<vmem>>, %arg5: memref<2x512x128xf32, #tpu.memory_space<vmem>>, %arg6: memref<1x256xf32, #tpu.memory_space<vmem>>, %arg7: memref<256x128xf32, #tpu.memory_space<vmem>>, %arg8: memref<256x128xf32, #tpu.memory_space<vmem>>, %arg9: memref<512x128xf32, #tpu.memory_space<vmem>>, %arg10: memref<512x128xf32, #tpu.memory_space<vmem>>) attributes {dimension_semantics = [#tpu.dimension_semantics<arbitrary>], iteration_bounds = array<i64: 20>, scalar_prefetch = 0 : i64, scratch_operands = 0 : i64, tpu.core_type = #tpu.core_type<tc>, window_params = [{transform_indices = @transform_0, window_bounds = array<i64: 2, 512, 128>}, {transform_indices = @transform_1, window_bounds = array<i64: 2, 512, 128>}, {transform_indices = @transform_2, window_bounds = array<i64: 512, 128>}, {transform_indices = @transform_3, window_bounds = array<i64: 512, 128>}, {transform_indices = @transform_4, window_bounds = array<i64: 2, 512, 128>}, {pipeline_mode = #tpu.pipeline_mode<synchronous>, transform_indices = @transform_5, window_bounds = array<i64: 1, 256>}, {pipeline_mode = #tpu.pipeline_mode<synchronous>, transform_indices = @transform_6, window_bounds = array<i64: 256, 128>}, {pipeline_mode = #tpu.pipeline_mode<synchronous>, transform_indices = @transform_7, window_bounds = array<i64: 256, 128>}, {transform_indices = @transform_8, window_bounds = array<i64: 512, 128>}, {transform_indices = @transform_9, window_bounds = array<i64: 512, 128>}]} {
    %get3A = arith.constant 0 : index
    %get3A_0 = arith.constant 0 : index
    %get3A_1 = arith.constant 0 : index
    %get3A_2 = vector.load %arg1[%get3A, %get3A_0, %get3A_1] : memref<2x512x128xf32, #tpu.memory_space<vmem>>, vector<1x512x128xf32>
    %get3A_3 = vector.shape_cast %get3A_2 : vector<1x512x128xf32> to vector<512x128xf32>
    %get3A_4 = arith.constant 1 : index
    %get3A_5 = arith.constant 0 : index
    %get3A_6 = arith.constant 0 : index
    %get3A_7 = vector.load %arg1[%get3A_4, %get3A_5, %get3A_6] : memref<2x512x128xf32, #tpu.memory_space<vmem>>, vector<1x512x128xf32>
    %get3A_8 = vector.shape_cast %get3A_7 : vector<1x512x128xf32> to vector<512x128xf32>
    %add3A = arith.addf %get3A_3, %get3A_8 : vector<512x128xf32>
    %get3A_9 = arith.constant 0 : index
    %get3A_10 = arith.constant 0 : index
    %get3A_11 = arith.constant 0 : index
    %get3A_12 = vector.load %arg2[%get3A_9, %get3A_10, %get3A_11] : memref<2x512x128xf32, #tpu.memory_space<vmem>>, vector<1x512x128xf32>
    %get3A_13 = vector.shape_cast %get3A_12 : vector<1x512x128xf32> to vector<512x128xf32>
    %get3A_14 = arith.constant 1 : index
    %get3A_15 = arith.constant 0 : index
    %get3A_16 = arith.constant 0 : index
    %get3A_17 = vector.load %arg2[%get3A_14, %get3A_15, %get3A_16] : memref<2x512x128xf32, #tpu.memory_space<vmem>>, vector<1x512x128xf32>
    %get3A_18 = vector.shape_cast %get3A_17 : vector<1x512x128xf32> to vector<512x128xf32>
    %add3A_19 = arith.addf %get3A_13, %get3A_18 : vector<512x128xf32>
    %concatenate3A = tpu.concatenate %add3A, %add3A_19 in 1 : vector<512x128xf32>, vector<512x128xf32> -> vector<512x256xf32>
    %get3A_20 = arith.constant 0 : index
    %get3A_21 = arith.constant 0 : index
    %get3A_22 = vector.load %arg3[%get3A_20, %get3A_21] : memref<512x128xf32, #tpu.memory_space<vmem>>, vector<512x128xf32>
    %get3A_23 = arith.constant 0 : index
    %get3A_24 = arith.constant 0 : index
    %get3A_25 = vector.load %arg4[%get3A_23, %get3A_24] : memref<512x128xf32, #tpu.memory_space<vmem>>, vector<512x128xf32>
    %concatenate3A_26 = tpu.concatenate %get3A_22, %get3A_25 in 1 : vector<512x128xf32>, vector<512x128xf32> -> vector<512x256xf32>
    %get3A_27 = arith.constant 0 : index
    %get3A_28 = arith.constant 0 : index
    %get3A_29 = arith.constant 0 : index
    %get3A_30 = vector.load %arg5[%get3A_27, %get3A_28, %get3A_29] : memref<2x512x128xf32, #tpu.memory_space<vmem>>, vector<1x512x1xf32>
    %get3A_31 = vector.shape_cast %get3A_30 : vector<1x512x1xf32> to vector<512x1xf32>
    %get3A_32 = arith.constant 1 : index
    %get3A_33 = arith.constant 0 : index
    %get3A_34 = arith.constant 0 : index
    %get3A_35 = vector.load %arg5[%get3A_32, %get3A_33, %get3A_34] : memref<2x512x128xf32, #tpu.memory_space<vmem>>, vector<1x512x1xf32>
    %get3A_36 = vector.shape_cast %get3A_35 : vector<1x512x1xf32> to vector<512x1xf32>
    %add3A_37 = arith.addf %get3A_31, %get3A_36 : vector<512x1xf32>
    %add3A_38 = arith.constant 1.000000e+00 : f32
    %add3A_39 = vector.broadcast %add3A_38 : f32 to vector<512x1xf32>
    %add3A_40 = arith.addf %add3A_37, %add3A_39 : vector<512x1xf32>
    %div3A = arith.constant 1.000000e+00 : f32
    %div3A_41 = vector.broadcast %div3A : f32 to vector<512x1xf32>
    %div3A_42 = arith.divf %div3A_41, %add3A_40 : vector<512x1xf32>
    %add3A_43 = arith.addf %concatenate3A, %concatenate3A_26 : vector<512x256xf32>
    %mul3A = vector.broadcast %div3A_42 : vector<512x1xf32> to vector<512x256xf32>
    %mul3A_44 = arith.mulf %add3A_43, %mul3A : vector<512x256xf32>
    %get3A_45 = arith.constant 0 : index
    %get3A_46 = arith.constant 0 : index
    %get3A_47 = vector.load %arg6[%get3A_45, %get3A_46] : memref<1x256xf32, #tpu.memory_space<vmem>>, vector<1x256xf32>
    %add3A_48 = vector.broadcast %get3A_47 : vector<1x256xf32> to vector<512x256xf32>
    %add3A_49 = arith.addf %mul3A_44, %add3A_48 : vector<512x256xf32>
    %max3A = arith.constant 0.000000e+00 : f32
    %max3A_50 = vector.broadcast %max3A : f32 to vector<512x256xf32>
    %max3A_51 = arith.maximumf %add3A_49, %max3A_50 : vector<512x256xf32>
    %get3A_52 = arith.constant 0 : index
    %get3A_53 = arith.constant 0 : index
    %get3A_54 = vector.load %arg7[%get3A_52, %get3A_53] : memref<256x128xf32, #tpu.memory_space<vmem>>, vector<256x128xf32>
    %dot_general3A = arith.constant dense<0.000000e+00> : vector<512x128xf32>
    %dot_general3A_55 = tpu.matmul %max3A_51, %get3A_54, %dot_general3A {dimension_numbers = #tpu.dot_dimension_numbers<[1], [0], [0], [1], [0, 0, 1, 1], [], []>, transpose_lhs_hint = false} : vector<512x256xf32>, vector<256x128xf32>, vector<512x128xf32> -> vector<512x128xf32>
    %swap3A = arith.constant 0 : index
    %swap3A_56 = arith.constant 0 : index
    %swap3A_57 = vector.load %arg9[%swap3A, %swap3A_56] : memref<512x128xf32, #tpu.memory_space<vmem>>, vector<512x128xf32>
    tpu.vector_store %arg9[%swap3A, %swap3A_56], %dot_general3A_55 {strides = array<i32>} : memref<512x128xf32, #tpu.memory_space<vmem>>, vector<512x128xf32>,
    %get3A_58 = arith.constant 0 : index
    %get3A_59 = arith.constant 0 : index
    %get3A_60 = vector.load %arg8[%get3A_58, %get3A_59] : memref<256x128xf32, #tpu.memory_space<vmem>>, vector<256x128xf32>
    %dot_general3A_61 = arith.constant dense<0.000000e+00> : vector<512x128xf32>
    %dot_general3A_62 = tpu.matmul %max3A_51, %get3A_60, %dot_general3A_61 {dimension_numbers = #tpu.dot_dimension_numbers<[1], [0], [0], [1], [0, 0, 1, 1], [], []>, transpose_lhs_hint = false} : vector<512x256xf32>, vector<256x128xf32>, vector<512x128xf32> -> vector<512x128xf32>
    %swap3A_63 = arith.constant 0 : index
    %swap3A_64 = arith.constant 0 : index
    %swap3A_65 = vector.load %arg10[%swap3A_63, %swap3A_64] : memref<512x128xf32, #tpu.memory_space<vmem>>, vector<512x128xf32>
    tpu.vector_store %arg10[%swap3A_63, %swap3A_64], %dot_general3A_62 {strides = array<i32>} : memref<512x128xf32, #tpu.memory_space<vmem>>, vector<512x128xf32>,
    return
  }
  func.func @transform_0(%arg0: i32) -> (i32, i32, i32) {
    %c0_i32 = arith.constant 0 : i32
    %c0_i32_0 = arith.constant 0 : i32
    %c0_i32_1 = arith.constant 0 : i32
    return %c0_i32, %arg0, %c0_i32_0 : i32, i32, i32
  }
  func.func @transform_1(%arg0: i32) -> (i32, i32, i32) {
    %c0_i32 = arith.constant 0 : i32
    %c0_i32_0 = arith.constant 0 : i32
    %c0_i32_1 = arith.constant 0 : i32
    return %c0_i32, %arg0, %c0_i32_0 : i32, i32, i32
  }
  func.func @transform_2(%arg0: i32) -> (i32, i32) {
    %c0_i32 = arith.constant 0 : i32
    %c0_i32_0 = arith.constant 0 : i32
    return %arg0, %c0_i32 : i32, i32
  }
  func.func @transform_3(%arg0: i32) -> (i32, i32) {
    %c0_i32 = arith.constant 0 : i32
    %c0_i32_0 = arith.constant 0 : i32
    return %arg0, %c0_i32 : i32, i32
  }
  func.func @transform_4(%arg0: i32) -> (i32, i32, i32) {
    %c0_i32 = arith.constant 0 : i32
    %c0_i32_0 = arith.constant 0 : i32
    %c0_i32_1 = arith.constant 0 : i32
    return %c0_i32, %arg0, %c0_i32_0 : i32, i32, i32
  }
  func.func @transform_5(%arg0: i32) -> (i32, i32) {
    %c0_i32 = arith.constant 0 : i32
    %c0_i32_0 = arith.constant 0 : i32
    %c0_i32_1 = arith.constant 0 : i32
    return %c0_i32, %c0_i32_0 : i32, i32
  }
  func.func @transform_6(%arg0: i32) -> (i32, i32) {
    %c0_i32 = arith.constant 0 : i32
    %c0_i32_0 = arith.constant 0 : i32
    %c0_i32_1 = arith.constant 0 : i32
    return %c0_i32, %c0_i32_0 : i32, i32
  }
  func.func @transform_7(%arg0: i32) -> (i32, i32) {
    %c0_i32 = arith.constant 0 : i32
    %c0_i32_0 = arith.constant 0 : i32
    %c0_i32_1 = arith.constant 0 : i32
    return %c0_i32, %c0_i32_0 : i32, i32
  }
  func.func @transform_8(%arg0: i32) -> (i32, i32) {
    %c0_i32 = arith.constant 0 : i32
    %c0_i32_0 = arith.constant 0 : i32
    return %arg0, %c0_i32 : i32, i32
  }
  func.func @transform_9(%arg0: i32) -> (i32, i32) {
    %c0_i32 = arith.constant 0 : i32
    %c0_i32_0 = arith.constant 0 : i32
    return %arg0, %c0_i32 : i32, i32
  }
}

module attributes {stable_mosaic.version = 14 : i64} {
  func.func @_fuse3_body(%arg0: i32, %arg1: memref<512x128xf32, #tpu.memory_space<vmem>>, %arg2: memref<2x512x128xf32, #tpu.memory_space<vmem>>, %arg3: memref<2x512x128xf32, #tpu.memory_space<vmem>>, %arg4: memref<128x64xf32, #tpu.memory_space<vmem>>, %arg5: memref<128x64xf32, #tpu.memory_space<vmem>>, %arg6: memref<1x64xf32, #tpu.memory_space<vmem>>, %arg7: memref<512x64xf32, #tpu.memory_space<vmem>>) attributes {dimension_semantics = [#tpu.dimension_semantics<arbitrary>], iteration_bounds = array<i64: 20>, scalar_prefetch = 0 : i64, scratch_operands = 0 : i64, tpu.core_type = #tpu.core_type<tc>, window_params = [{transform_indices = @transform_0, window_bounds = array<i64: 512, 128>}, {transform_indices = @transform_1, window_bounds = array<i64: 2, 512, 128>}, {transform_indices = @transform_2, window_bounds = array<i64: 2, 512, 128>}, {pipeline_mode = #tpu.pipeline_mode<synchronous>, transform_indices = @transform_3, window_bounds = array<i64: 128, 64>}, {pipeline_mode = #tpu.pipeline_mode<synchronous>, transform_indices = @transform_4, window_bounds = array<i64: 128, 64>}, {pipeline_mode = #tpu.pipeline_mode<synchronous>, transform_indices = @transform_5, window_bounds = array<i64: 1, 64>}, {transform_indices = @transform_6, window_bounds = array<i64: 512, 64>}]} {
    %get3A = arith.constant 0 : index
    %get3A_0 = arith.constant 0 : index
    %get3A_1 = arith.constant 0 : index
    %get3A_2 = vector.load %arg3[%get3A, %get3A_0, %get3A_1] : memref<2x512x128xf32, #tpu.memory_space<vmem>>, vector<1x512x1xf32>
    %get3A_3 = vector.shape_cast %get3A_2 : vector<1x512x1xf32> to vector<512x1xf32>
    %get3A_4 = arith.constant 1 : index
    %get3A_5 = arith.constant 0 : index
    %get3A_6 = arith.constant 0 : index
    %get3A_7 = vector.load %arg3[%get3A_4, %get3A_5, %get3A_6] : memref<2x512x128xf32, #tpu.memory_space<vmem>>, vector<1x512x1xf32>
    %get3A_8 = vector.shape_cast %get3A_7 : vector<1x512x1xf32> to vector<512x1xf32>
    %add3A = arith.addf %get3A_3, %get3A_8 : vector<512x1xf32>
    %max3A = arith.constant 1.000000e+00 : f32
    %max3A_9 = vector.broadcast %max3A : f32 to vector<512x1xf32>
    %max3A_10 = arith.maximumf %add3A, %max3A_9 : vector<512x1xf32>
    %div3A = arith.constant 1.000000e+00 : f32
    %div3A_11 = vector.broadcast %div3A : f32 to vector<512x1xf32>
    %div3A_12 = arith.divf %div3A_11, %max3A_10 : vector<512x1xf32>
    %get3A_13 = arith.constant 0 : index
    %get3A_14 = arith.constant 0 : index
    %get3A_15 = arith.constant 0 : index
    %get3A_16 = vector.load %arg2[%get3A_13, %get3A_14, %get3A_15] : memref<2x512x128xf32, #tpu.memory_space<vmem>>, vector<1x512x128xf32>
    %get3A_17 = vector.shape_cast %get3A_16 : vector<1x512x128xf32> to vector<512x128xf32>
    %get3A_18 = arith.constant 1 : index
    %get3A_19 = arith.constant 0 : index
    %get3A_20 = arith.constant 0 : index
    %get3A_21 = vector.load %arg2[%get3A_18, %get3A_19, %get3A_20] : memref<2x512x128xf32, #tpu.memory_space<vmem>>, vector<1x512x128xf32>
    %get3A_22 = vector.shape_cast %get3A_21 : vector<1x512x128xf32> to vector<512x128xf32>
    %add3A_23 = arith.addf %get3A_17, %get3A_22 : vector<512x128xf32>
    %mul3A = vector.broadcast %div3A_12 : vector<512x1xf32> to vector<512x128xf32>
    %mul3A_24 = arith.mulf %add3A_23, %mul3A : vector<512x128xf32>
    %get3A_25 = arith.constant 0 : index
    %get3A_26 = arith.constant 0 : index
    %get3A_27 = vector.load %arg1[%get3A_25, %get3A_26] : memref<512x128xf32, #tpu.memory_space<vmem>>, vector<512x128xf32>
    %get3A_28 = arith.constant 0 : index
    %get3A_29 = arith.constant 0 : index
    %get3A_30 = vector.load %arg4[%get3A_28, %get3A_29] : memref<128x64xf32, #tpu.memory_space<vmem>>, vector<128x64xf32>
    %dot_general3A = arith.constant dense<0.000000e+00> : vector<512x64xf32>
    %dot_general3A_31 = tpu.matmul %get3A_27, %get3A_30, %dot_general3A {dimension_numbers = #tpu.dot_dimension_numbers<[1], [0], [0], [1], [0, 0, 1, 1], [], []>, transpose_lhs_hint = false} : vector<512x128xf32>, vector<128x64xf32>, vector<512x64xf32> -> vector<512x64xf32>
    %get3A_32 = arith.constant 0 : index
    %get3A_33 = arith.constant 0 : index
    %get3A_34 = vector.load %arg5[%get3A_32, %get3A_33] : memref<128x64xf32, #tpu.memory_space<vmem>>, vector<128x64xf32>
    %dot_general3A_35 = arith.constant dense<0.000000e+00> : vector<512x64xf32>
    %dot_general3A_36 = tpu.matmul %mul3A_24, %get3A_34, %dot_general3A_35 {dimension_numbers = #tpu.dot_dimension_numbers<[1], [0], [0], [1], [0, 0, 1, 1], [], []>, transpose_lhs_hint = false} : vector<512x128xf32>, vector<128x64xf32>, vector<512x64xf32> -> vector<512x64xf32>
    %add3A_37 = arith.addf %dot_general3A_31, %dot_general3A_36 : vector<512x64xf32>
    %get3A_38 = arith.constant 0 : index
    %get3A_39 = arith.constant 0 : index
    %get3A_40 = vector.load %arg6[%get3A_38, %get3A_39] : memref<1x64xf32, #tpu.memory_space<vmem>>, vector<1x64xf32>
    %add3A_41 = vector.broadcast %get3A_40 : vector<1x64xf32> to vector<512x64xf32>
    %add3A_42 = arith.addf %add3A_37, %add3A_41 : vector<512x64xf32>
    %swap3A = arith.constant 0 : index
    %swap3A_43 = arith.constant 0 : index
    %swap3A_44 = vector.load %arg7[%swap3A, %swap3A_43] : memref<512x64xf32, #tpu.memory_space<vmem>>, vector<512x64xf32>
    tpu.vector_store %arg7[%swap3A, %swap3A_43], %add3A_42 {strides = array<i32>} : memref<512x64xf32, #tpu.memory_space<vmem>>, vector<512x64xf32>,
    return
  }
  func.func @transform_0(%arg0: i32) -> (i32, i32) {
    %c0_i32 = arith.constant 0 : i32
    %c0_i32_0 = arith.constant 0 : i32
    return %arg0, %c0_i32 : i32, i32
  }
  func.func @transform_1(%arg0: i32) -> (i32, i32, i32) {
    %c0_i32 = arith.constant 0 : i32
    %c0_i32_0 = arith.constant 0 : i32
    %c0_i32_1 = arith.constant 0 : i32
    return %c0_i32, %arg0, %c0_i32_0 : i32, i32, i32
  }
  func.func @transform_2(%arg0: i32) -> (i32, i32, i32) {
    %c0_i32 = arith.constant 0 : i32
    %c0_i32_0 = arith.constant 0 : i32
    %c0_i32_1 = arith.constant 0 : i32
    return %c0_i32, %arg0, %c0_i32_0 : i32, i32, i32
  }
  func.func @transform_3(%arg0: i32) -> (i32, i32) {
    %c0_i32 = arith.constant 0 : i32
    %c0_i32_0 = arith.constant 0 : i32
    %c0_i32_1 = arith.constant 0 : i32
    return %c0_i32, %c0_i32_0 : i32, i32
  }
  func.func @transform_4(%arg0: i32) -> (i32, i32) {
    %c0_i32 = arith.constant 0 : i32
    %c0_i32_0 = arith.constant 0 : i32
    %c0_i32_1 = arith.constant 0 : i32
    return %c0_i32, %c0_i32_0 : i32, i32
  }
  func.func @transform_5(%arg0: i32) -> (i32, i32) {
    %c0_i32 = arith.constant 0 : i32
    %c0_i32_0 = arith.constant 0 : i32
    %c0_i32_1 = arith.constant 0 : i32
    return %c0_i32, %c0_i32_0 : i32, i32
  }
  func.func @transform_6(%arg0: i32) -> (i32, i32) {
    %c0_i32 = arith.constant 0 : i32
    %c0_i32_0 = arith.constant 0 : i32
    return %arg0, %c0_i32 : i32, i32
  }
}

</mosaic_0001>

<sc_bundles>
// kernel: kernel.11.cloned.1.call-start
scs
__scs_entry_jumppad:
0x0: {  	(pc) =	sbr.rel $0x88, $3  }
0x1: {  	(tag) =	ssettag $0x0;
	lr =	simm.s32 $0x1  }
0x2: {  	[smem:$0x3F97] =	sst lr;
	_ =	strace $0xD0000000  }
0x3: {  	_ = 	snop  }
0x4: {  	_ = 	snop  }
0x5: {  	_ = 	snop  }
0x6: {  	_ = 	snop  }
0x7: {  	_ = 	snop  }
__scs_overlays_trampoline_lowered:
0x8: {  	[smem:$0x3FA6] =	sst s0  }
0x9: {  	[smem:$0x3FA7] =	sst s1  }
0xa: {  	[smem:$0x3FA8] =	sst s2  }
0xb: {  	[smem:$0x3FA9] =	sst s3  }
0xc: {  	[smem:$0x3FAA] =	sst s4  }
0xd: {  	[smem:$0x3FAB] =	sst s5  }
0xe: {  	[smem:$0x3FAC] =	sst s6  }
0xf: {  	[smem:$0x3FAD] =	sst s7  }
0x10: {  	[smem:$0x3FAE] =	sst s8  }
0x11: {  	[smem:$0x3FAF] =	sst s9;
	s0 =	simm.s32 @!p0 $0x0  }
0x12: {  	s1 =	sld [smem:$0x3F95];
	s0 =	simm.s32 @p0 $0x1  }
0x13: {  	[smem:$0x3FB0] =	sst s0;
	s0 =	simm.s32 @!p1 $0x0  }
0x14: {  	s2 =	sld [smem:$0x3F94];
	s0 =	simm.s32 @p1 $0x1  }
0x15: {  	[smem:$0x3FB1] =	sst s0;
	s0 =	simm.s32 @!p2 $0x0  }
0x16: {  	s3 =	sld [smem:$0x3FDB];
	s0 =	simm.s32 @p2 $0x1  }
0x17: {  	s4 =	simm.s32 $0x1BF5;
	[smem:$0x3FB3] =	sst s0  }
0x18: {  	s0 =	sld [smem:$0x3F96];
	_ =	swait.ge [sflag:s4], $0x0  }
0x19: {  	s7 =	sld [smem:$0x3F97]  }
0x1a: {  	s8 =	sadd.s32 $0xFFFFE003, lr  }
0x1b: {  	s9 =	sadd.s32 $0xFFFFFEF7, lr;
	s5 =	simm.s32 $0xFFFFFFFF;
	p2 =	slt.u32 s8, $0xFFFFF086  }
0x1c: {  	p1 =	slt.u32 s9, $0xF7A;
	s5 =	simm.s32 @!p2 $0x0  }
0x1d: {  	s5 =	simm.s32 @p1 $0x1;
	p0 =	seq.s32 s7, s2  }
0x1e: {  	s7 =	smul.u32 @!p0 $0xF7A, s2;
	p2 =	seq.s32 @!p0 s5, $0x0  }
0x1f: {  	s9 =	smul.u32 $0xF7A, s1;
	s8 =	simm.s32 @!p0 $0x1BF5;
	p2 =	por !p2, p0  }
0x20: {  	[sflag:s8] =	ssyncset.s32 @!p0 $0xFFFFF086;
	s6 =	sadd.s32 @!p0 s3, s7;
	s7 =	simm.s32 @!p0 $0x108  }
0x21: {  	s3 =	sadd.s32 s3, s9;
	s6 =	sadd.s32 @!p0 $0x88, s6;
	s7 =	simm.s32 @p2 $0x1082  }
0x22: {  	[simem:s7], [sflag:s8] =	dma.local @!p0 [hbm:s6], $0xF7A  }
0x23: {  	s9 =	sor.u32 $0xD0000000, s2;
	s6 =	simm.s32 $0x108;
	_ =	swait.ge @!p0 [sflag:s8], $0x0  }
0x24: {  	s3 =	sadd.s32 $0x88, s3;
	s6 =	simm.s32 @!p1 $0x1082;
	[sflag:s4] =	ssyncset.s32 $0xFFFFF086  }
0x25: {  	[simem:s6], [sflag:s4] =	dma.local [hbm:s3], $0xF7A  }
0x26: {  	[smem:$0x3F97] =	sst s1;
	(tag) =	ssettag s2;
	_ =	strace s9  }
0x27: {  	s1 =	sld [smem:$0x3FA7]  }
0x28: {  	s2 =	sld [smem:$0x3FA8]  }
0x29: {  	s4 =	sld [smem:$0x3FAA]  }
0x2a: {  	p0 =	seq.s32 s5, $0x0;
	s5 =	sld [smem:$0x3FAB]  }
0x2b: {  	s6 =	sld [smem:$0x3FAC]  }
0x2c: {  	s7 =	sld [smem:$0x3FAD]  }
0x2d: {  	s3 =	simm.s32 $0x108;
	s8 =	sld [smem:$0x3FAE]  }
0x2e: {  	s3 =	simm.s32 @!p0 $0x1082;
	s9 =	sld [smem:$0x3FAF]  }
0x2f: {  	lr =	sadd.s32 s0, s3;
	s0 =	sld [smem:$0x3FA6]  }
0x30: {  	s3 =	sld [smem:$0x3FA9]  }
0x31: {  	[smem:$0x3FB2] =	sst s10  }
0x32: {  	s10 =	sld [smem:$0x3FB0];
	_ =	sdelay $0x3  }
0x33: {  	p0 =	seq.s32 s10, $0x1;
	s10 =	sld [smem:$0x3FB2];
	_ =	sdelay $0x3  }
0x34: {  	[smem:$0x3FB2] =	sst s10  }
0x35: {  	s10 =	sld [smem:$0x3FB1];
	_ =	sdelay $0x3  }
0x36: {  	p1 =	seq.s32 s10, $0x1;
	s10 =	sld [smem:$0x3FB2];
	_ =	sdelay $0x3  }
0x37: {  	[smem:$0x3FB2] =	sst s10  }
0x38: {  	s10 =	sld [smem:$0x3FB3]  }
0x39: {  	_ = 	snop;
	(pc) =	sbr.ind lr, $3  }
0x3a: {  	_ = 	snop  }
0x3b: {  	_ = 	snop  }
0x3c: {  	p2 =	seq.s32 s10, $0x1;
	s10 =	sld [smem:$0x3FB2]  }
0x3d: {  	_ =	shalt  }
0x3e: {  	_ =	shalt  }
0x3f: {  	_ =	shalt  }
0x40: {  	_ =	shalt  }
0x41: {  	_ =	shalt  }
0x42: {  	_ =	shalt  }
0x43: {  	_ =	shalt  }
0x44: {  	_ =	shalt  }
0x45: {  	_ =	shalt  }
0x46: {  	_ =	shalt  }
0x47: {  	_ =	shalt  }
0x48: {  	_ =	shalt  }
0x49: {  	_ =	shalt  }
0x4a: {  	_ =	shalt  }
0x4b: {  	_ =	shalt  }
0x4c: {  	_ =	shalt  }
0x4d: {  	_ =	shalt  }
0x4e: {  	_ =	shalt  }
0x4f: {  	_ =	shalt  }
0x50: {  	_ =	shalt  }
0x51: {  	_ =	shalt  }
0x52: {  	_ =	shalt  }
0x53: {  	_ =	shalt  }
0x54: {  	_ =	shalt  }
0x55: {  	_ =	shalt  }
0x56: {  	_ =	shalt  }
0x57: {  	_ =	shalt  }
0x58: {  	_ =	shalt  }
0x59: {  	_ =	shalt  }
0x5a: {  	_ =	shalt  }
0x5b: {  	_ =	shalt  }
0x5c: {  	_ =	shalt  }
0x5d: {  	_ =	shalt  }
0x5e: {  	_ =	shalt  }
0x5f: {  	_ =	shalt  }
0x60: {  	_ =	shalt  }
0x61: {  	_ =	shalt  }
0x62: {  	_ =	shalt  }
0x63: {  	_ =	shalt  }
0x64: {  	_ =	shalt  }
0x65: {  	_ =	shalt  }
0x66: {  	_ =	shalt  }
0x67: {  	_ =	shalt  }
0x68: {  	_ =	shalt  }
0x69: {  	_ =	shalt  }
0x6a: {  	_ =	shalt  }
0x6b: {  	_ =	shalt  }
0x6c: {  	_ =	shalt  }
0x6d: {  	_ =	shalt  }
0x6e: {  	_ =	shalt  }
0x6f: {  	_ =	shalt  }
0x70: {  	_ =	shalt  }
0x71: {  	_ =	shalt  }
0x72: {  	_ =	shalt  }
0x73: {  	_ =	shalt  }
0x74: {  	_ =	shalt  }
0x75: {  	_ =	shalt  }
0x76: {  	_ =	shalt  }
0x77: {  	_ =	shalt  }
0x78: {  	_ =	shalt  }
0x79: {  	_ =	shalt  }
0x7a: {  	_ =	shalt  }
0x7b: {  	_ =	shalt  }
0x7c: {  	_ =	shalt  }
0x7d: {  	_ =	shalt  }
0x7e: {  	_ =	shalt  }
0x7f: {  	_ =	shalt  }
0x80: {  	_ =	shalt  }
0x81: {  	_ =	shalt  }
0x82: {  	_ =	shalt  }
0x83: {  	_ =	shalt  }
0x84: {  	_ =	shalt  }
0x85: {  	_ =	shalt  }
0x86: {  	_ =	shalt  }
0x87: {  	_ =	shalt  }
.Lfunc_end0:
.L_simem_size_0:
called_computation_lowered:
.L_overlay_start_0:
0x88: {  	s2 =	sld [smem:$0x3FD9]  }
0x89: {  	s3 =	sld [smem:$0x3FFE];
	_ =	sdelay $0x1  }
0x8a: {  	s1 =	srdreg.scid  }
0x8b: {  	s0 =	sand.u32 $0x1, s1  }
0x8c: {  	s17 =	sshll.u32 s0, $0xA;
	s2 =	sadd.s32 s3, s2  }
0x8d: {  	s2 =	sadd.s32 s2, s17  }
0x8e: {  	[smem:$0x3FBE] =	sst s2  }
0x8f: {  	_ = 	snop  }
0x90: {  	s18 =	sld [smem:$0x3FD0];
	(tm) =	ssettm $0x1  }
0x91: {  	s19 =	sld [smem:$0x3FFB];
	_ =	sdelay $0x3  }
0x92: {  	_ =	strace s19  }
0x93: {  	s2 =	sld [smem:$0x3FFC];
	_ =	sdelay $0x3  }
0x94: {  	_ =	strace s2  }
0x95: {  	s2 =	sld [smem:$0x3FFD];
	_ =	sdelay $0x3  }
0x96: {  	_ =	strace s2  }
0x97: {  	_ =	strace $0x8FFFFFFF  }
0x98: {  	s20 =	sld [smem:$0x3FDB];
	_ =	sdelay $0x1  }
0x99: {  	s4 =	simm.s32 $_scs_section_size  }
0x9a: {  	s5 =	simm.s32 $_size__tile_overlayer_lowered;
	s6 =	simm.s32 $_tile_overlayer_lowered  }
0x9b: {  	s7 =	simm.s32 $0x1BFF;
	s21 =	sshll.u32 s6, $0x1;
	s4 =	sadd.s32 s4, s20  }
0x9c: {  	s22 =	simm.s32 $0x0;
	s5 =	sshll.u32 s5, $0x1;
	s6 =	sadd.s32 s21, s4  }
0x9d: {  	[timem:s22], [sflag:s7] =	dma.local [hbm:s6], s5  }
0x9e: {  	_ =	swait.ge [sflag:s7], s5  }
0x9f: {  	s5 =	ssub.s32 $0x0, s5;
	[sflag:s7] =	ssyncset.done $0x0  }
0xa0: {  	[sflag:s7] =	ssyncadd.s32 s5;
	_ =	sdelay $0x1  }
0xa1: {  	s23 =	simm.s32 $0x1B8B  }
0xa2: {  	_ =	swait.ge [sflag:s23], $0x1  }
0xa3: {  	[sflag:s23] =	ssyncset.done $0x0  }
0xa4: {  	[sflag:s23] =	ssyncadd.s32 $0xFFFFFFFF  }
0xa5: {  	s5 =	sld [smem:$0x0]  }
0xa6: {  	s6 =	sand.u32 $0xFFFFFFFE, s1  }
0xa7: {  	p0 =	sne.s32 s1, s6  }
0xa8: {  	s6 =	sshll.u32 @p0 s6, $0xE  }
0xa9: {  	s6 =	sadd.s32 @p0 $0x11B8D, s6;
	s7 =	sshll.u32 @p0 s5, $0x11  }
0xaa: {  	s6 =	sor.u32 @p0 s7, s6  }
0xab: {  	[sflag:s6] =	ssyncadd.remote.s32 @p0 $0x1;
	_ =	sdelay $0x1  }
0xac: {  	s6 =	simm.s32 @p0 $0x1B8D  }
0xad: {  	_ =	swait.eq @p0 [sflag:s6], $0x1  }
0xae: {  	[sflag:s6] =	ssyncadd.s32 @p0 $0xFFFFFFFF  }
0xaf: {  	s7 =	sshll.u32 @!p0 s1, $0xE  }
0xb0: {  	s7 =	sor.u32 @!p0 $0x4000, s7;
	s6 =	simm.s32 @!p0 $0x1B8D  }
0xb1: {  	s5 =	sshll.u32 @!p0 s5, $0x11;
	s7 =	sadd.s32 @!p0 $0x11B8D, s7;
	_ =	swait.eq @!p0 [sflag:s6], $0x1  }
0xb2: {  	s5 =	sor.u32 @!p0 s5, s7;
	[sflag:s6] =	ssyncadd.s32 @!p0 $0xFFFFFFFF  }
0xb3: {  	s25 =	simm.s32 $0x1B8E;
	s24 =	sld [smem:$0x3FFE];
	[sflag:s5] =	ssyncadd.remote.s32 @!p0 $0x1  }
0xb4: {  	s26 =	simm.s32 $execute0_lowered;
	[smem:$0x3FD2] =	sst s25  }
0xb5: {  	s6 =	sshll.u32 s26, $0x1;
	_ =	strace $0x8000004C;
	[dreg:$0x1] =	wrdreg $0xFFFFFFFF  }
0xb6: {  	s28 =	simm.s32 $_size_execute0_lowered;
	s4 =	sadd.s32 s4, s6;
	[dreg:$0x0] =	wrdreg $0x0  }
0xb7: {  	s6 =	sshll.u32 s28, $0x1;
	[dreg:$0x2] =	wrdreg s4  }
0xb8: {  	[dreg:$0x3] =	wrdreg s6  }
0xb9: {  	[dreg:$0x4] =	wrdreg $0xC0  }
0xba: {  	_ =	task [dreg:s22], $0x5FFFF  }
0xbb: {  	[dreg:$0x1] =	wrdreg $0xFFFFFFFF  }
0xbc: {  	[dreg:$0x0] =	wrdreg $0x60  }
0xbd: {  	[dreg:$0x2] =	wrdreg s18  }
0xbe: {  	[dreg:$0x3] =	wrdreg s24  }
0xbf: {  	[dreg:$0x4] =	wrdreg $0x68000  }
0xc0: {  	[dreg:$0x5] =	wrdreg $0x9  }
0xc1: {  	_ =	task.clear_ibuf [dreg:s22], $0x6FFFF;
	_ =	strace $0x9000004C  }
0xc2: {  	s29 =	simm.s32 $0x9;
	_ =	strace $0x8000004E  }
0xc3: {  	_ =	swait.ge [sflag:s29], $0x1  }
0xc4: {  	[sflag:s29] =	ssyncadd.s32 $0xFFFFFFFF  }
0xc5: {  	_ =	strace $0x9000004E  }
0xc6: {  	_ =	sfence  }
0xc7: {  	s30 =	sld [smem:$0x0];
	_ =	sdelay $0x2  }
0xc8: {  	s31 =	sshll.u32 s1, $0xD;
	s1 =	sshrl.u32 s1, $0x2  }
0xc9: {  	s4 =	sand.u32 $0x4000, s31;
	s1 =	sadd.s32 s1, s30  }
0xca: {  	s0 =	sor.u32 s4, s0;
	s1 =	sshll.u32 s1, $0x11  }
0xcb: {  	s0 =	sor.u32 s1, s0  }
0xcc: {  	s0 =	sadd.s32 $0x8F2B, s0  }
0xcd: {  	[sflag:s0] =	ssyncadd.remote.s32 $0x1  }
0xce: {  	_ =	sfence.sel $0xFFFF  }
0xcf: {  	[dreg:$0x0] =	wrdreg $0xFFFFFFFF;
	(pc) =	sbr.abs _section_cstart, $3  }
0xd0: {  	[dreg:$0x1] =	wrdreg $0xFFFFFFFF  }
0xd1: {  	_ =	task.clear_ibuf [dreg:s22], $0x2FFFF;
	_ =	strace $0x9FFFFFFF  }
0xd2: {  	(tm) =	ssettm $0x7FFFFFFF  }
0xd3: {  	_ =	shalt  }
tec
execute0_lowered:
.L_overlay_start_1:
0x0: {  	(tag) =	ssettag $0x1  }
0x1: {  	s5 =	rddreg [dreg:$0x0]  }
0x2: {  	s6 =	rddreg [dreg:$0x1]  }
0x3: {  	s2 =	rddreg [dreg:$0x2];
	s3 =	srdreg.scid  }
0x4: {  	s0 =	rddreg [dreg:$0x3];
	s1 =	stileid.u32;
	s15 =	simm.s32 $0x1  }
0x5: {  	s7 =	sand.u32 $0x1, s3;
	s3 =	simm.s32 $0x0;
	s16 =	smul.u32 $0x2800, s1  }
0x6: {  	s4 =	sshll.u32 s1, $0xB;
	s11 =	smul.u32 $0x50000, s1;
	s31 =	sshll.u32 s1, $0x6  }
0x7: {  	s8 =	sshll.u32 s7, $0xA;
	[smem:$0x7FF] =	sst s3;
	s10 =	smul.u32 $0x28000, s7  }
0x8: {  	s7 =	ssub.s32 $0x2, s7;
	s8 =	sor.u32 s8, s4;
	_ =	strace $0x8000004D  }
0x9: {  	s4 =	sadd.s32 $0x124000, s6;
	s12 =	sadd.s32 s16, s6;
	s29 =	sshrl.u32 s7, $0x1  }
0xa: {  	s30 =	sshrl.u32 s11, $0x2;
	s11 =	sor.u32 $0x1C02, s31;
	s9 =	sadd.s32 s8, s6  }
0xb: {  	s10 =	sadd.s32 s10, s6;
	s13 =	ssub.s32 s7, s29;
	s5 =	sadd.s32 s5, s8  }
0xc: {  	s14 =	sadd.s32 s30, s2;
	s7 =	sadd.s32 $0x5C000, s12;
	s6 =	sadd.s32 $0x4000, s9  }
0xd: {  	s17 =	sadd.s32 $0x14C000, s10;
	s8 =	smax.u32 s13, $0x1;
	s9 =	simm.s32 $0x2  }
0xe: {  	s10 =	simm.s32 $0x2000;
	s12 =	sshrl.u32 s14, $0x3;
	s13 =	simm.s32 $0x50  }
0xf: {  	s14 =	simm.s32 $0x4000;
	s16 =	sadd.s32 s16, s17;
	s17 =	simm.s32 $0x0  }
.LBB2_1:
0x10: {  	[tilespmem:s3], [sflag:$0x2] =	stream.linear.gather [hbm4b:s5+s3], $0x1F80, $0x38;
	[tilespmem:$0x1A800] =	vst v63  }
0x11: {  	_ =	swait.ge [sflag:s9], $0x1F80  }
0x12: {  	[sflag:s9] =	ssyncset.done $0x0  }
0x13: {  	[sflag:s9] =	ssyncadd.s32 $0xFFFFE080  }
0x14: {  	[tilespmem:s10], [sflag:$0x2] =	stream.linear.gather [hbm4b:s6+s3], $0x1F80, $0x38;
	[tilespmem:$0x1A800] =	vst v63  }
0x15: {  	_ =	swait.ge [sflag:s9], $0x1F80  }
0x16: {  	[sflag:s9] =	ssyncset.done $0x0  }
0x17: {  	[sflag:s9] =	ssyncadd.s32 $0xFFFFE080  }
0x18: {  	[spmem:s12], [sflag:s11] =	dma.local [hbm:s7], $0x2800  }
0x19: {  	_ =	swait.ge [sflag:s9], $0x2800  }
0x1a: {  	[sflag:s9] =	ssyncset.done $0x0  }
0x1b: {  	[sflag:s9] =	ssyncadd.s32 $0xFFFFD800  }
0x1c: {  	s18 =	simm.s32 $0x0;
	[bflag:$0x0] =	sbarrier.arrive $0xFFFF  }
0x1d: {  	[tilespmem:s14], [sflag:$0x1] =	stream.indirect.gather [hbm4b:s4+s13], $0x80, s18, s13, $0xb8;
	[tilespmem:$0x1A800] =	vst v63  }
0x1e: {  	_ =	swait.ge [sflag:s15], $0x2800  }
0x1f: {  	[sflag:s15] =	ssyncset.done $0x0  }
0x20: {  	s31 =	simm.s32 $0x2000;
	[sflag:s15] =	ssyncadd.s32 $0xFFFFD800  }
0x21: {  	[spmem:s2] =	stream.indirect.scatter.add.f32 [tilespmem:s14], [sflag:$0x2], $0x80, s31, s13, $0xb8;
	[tilespmem:$0x1A800] =	vst v63  }
0x22: {  	_ =	swait.ge [sflag:s9], $0x2800  }
0x23: {  	s19 =	simm.s32 $0x400;
	s18 =	simm.s32 $0x200;
	[sflag:s9] =	ssyncset.done $0x0  }
.LBB2_2:
0x24: {  	s20 =	sshra.s32 s18, $0x2  }
0x25: {  	[sflag:s9] =	ssyncadd.s32 $0xFFFFD800;
	s18 =	smov.u32 s19;
	s21 =	sadd.s32 $0x200, s19  }
0x26: {  	[tilespmem:s14], [sflag:$0x1] =	stream.indirect.gather [hbm4b:s4+s13], $0x80, s20, s13, $0xb8;
	[tilespmem:$0x1A800] =	vst v63  }
0x27: {  	p0 =	sne.s32 s19, $0x7C00;
	_ =	swait.ge [sflag:s15], $0x2800  }
.Ltmp0:
0x28: {  	[sflag:s15] =	ssyncset.done $0x0;
	(pc) =	sbr.rel @p0 .LBB2_2-.Ltmp0, $4  }
0x29: {  	s19 =	sadd.s32 $0x2000, s20;
	[sflag:s15] =	ssyncadd.s32 $0xFFFFD800  }
0x2a: {  	[spmem:s2] =	stream.indirect.scatter.add.f32 [tilespmem:s14], [sflag:$0x2], $0x80, s19, s13, $0xb8;
	[tilespmem:$0x1A800] =	vst v63  }
0x2b: {  	_ =	swait.ge [sflag:s9], $0x2800  }
0x2c: {  	s19 =	smov.u32 s21;
	[sflag:s9] =	ssyncset.done $0x0  }
0x2d: {  	s18 =	sshra.s32 s18, $0x2;
	[sflag:s9] =	ssyncadd.s32 $0xFFFFD800  }
0x2e: {  	[tilespmem:s14], [sflag:$0x1] =	stream.indirect.gather [hbm4b:s4+s13], $0x80, s18, s13, $0xb8;
	[tilespmem:$0x1A800] =	vst v63  }
0x2f: {  	_ =	swait.ge [sflag:s15], $0x2800  }
0x30: {  	[sflag:s15] =	ssyncset.done $0x0  }
0x31: {  	s18 =	sadd.s32 $0x2000, s18;
	[sflag:s15] =	ssyncadd.s32 $0xFFFFD800  }
0x32: {  	[spmem:s2] =	stream.indirect.scatter.add.f32 [tilespmem:s14], [sflag:$0x2], $0x80, s18, s13, $0xb8;
	[tilespmem:$0x1A800] =	vst v63  }
0x33: {  	_ =	swait.ge [sflag:s9], $0x2800  }
0x34: {  	s17 =	sadd.s32 $0x1, s17;
	[sflag:s9] =	ssyncset.done $0x0  }
0x35: {  	p0 =	sne.s32 s17, s8;
	[sflag:s9] =	ssyncadd.s32 $0xFFFFD800  }
.Ltmp1:
0x36: {  	[bflag:$0x0] =	sbarrier.arrive $0xFFFF;
	(pc) =	sbr.rel @p0 .LBB2_1-.Ltmp1, $4  }
0x37: {  	[hbm:s16], [sflag:s11] =	dma.local [spmem:s12], $0x2800  }
0x38: {  	_ =	swait.ge [sflag:s9], $0x2800  }
0x39: {  	[sflag:s9] =	ssyncset.done $0x0  }
0x3a: {  	[sflag:s9] =	ssyncadd.s32 $0xFFFFD800  }
0x3b: {  	_ =	sfence.sel $0x180000  }
0x3c: {  	[bflag:$0x0] =	sbarrier.arrive $0xFFFF  }
0x3d: {  	p0 =	sne.s32 s1, $0x0;
	_ =	strace $0x9000004D  }
0x3e: {  	s0 =	sadd.s32 @!p0 $0x100000, s0;
	[bflag:$0x2] =	sbarrier.arrive $0xFFFF  }
0x3f: {  	[sflag:s0] =	ssyncadd.tile.s32 @!p0 $0x1;
	_ =	shalt  }
.Lfunc_end2:
_tile_overlayer_lowered:
.L_overlay_start_2:
0x40: {  	(tag) =	ssettag $0x2  }
0x41: {  	s0 =	rddreg [dreg:$0x0];
	s2 =	stileid.u32  }
0x42: {  	s1 =	rddreg [dreg:$0x1];
	p0 =	sne.s32 s2, $0x0  }
0x43: {  	s3 =	rddreg [dreg:$0x2];
	[bflag:$0x3] =	sbarrier.arrive $0xFFFF;
	s2 =	simm.s32 @!p0 $0x1C02  }
0x44: {  	[timem:s3], [sflag:s2] =	dma.local @!p0 [hbm:s0], s1  }
0x45: {  	s0 =	simm.s32 @!p0 $0x2  }
0x46: {  	_ =	swait.ge @!p0 [sflag:s0], s1  }
0x47: {  	s1 =	ssub.s32 @!p0 $0x0, s1;
	[sflag:s0] =	ssyncset.done @!p0 $0x0  }
0x48: {  	[sflag:s0] =	ssyncadd.s32 @!p0 s1  }
0x49: {  	[bflag:$0x3] =	sbarrier.arrive $0xFFFF  }
0x4a: {  	_ =	shalt  }

// kernel: kernel.14.cloned.1.call-start
scs
__scs_entry_jumppad:
0x0: {  	(pc) =	sbr.rel $0x88, $3  }
0x1: {  	(tag) =	ssettag $0x0;
	lr =	simm.s32 $0x1  }
0x2: {  	[smem:$0x3F97] =	sst lr;
	_ =	strace $0xD0000000  }
0x3: {  	_ = 	snop  }
0x4: {  	_ = 	snop  }
0x5: {  	_ = 	snop  }
0x6: {  	_ = 	snop  }
0x7: {  	_ = 	snop  }
__scs_overlays_trampoline_lowered:
0x8: {  	[smem:$0x3FA6] =	sst s0  }
0x9: {  	[smem:$0x3FA7] =	sst s1  }
0xa: {  	[smem:$0x3FA8] =	sst s2  }
0xb: {  	[smem:$0x3FA9] =	sst s3  }
0xc: {  	[smem:$0x3FAA] =	sst s4  }
0xd: {  	[smem:$0x3FAB] =	sst s5  }
0xe: {  	[smem:$0x3FAC] =	sst s6  }
0xf: {  	[smem:$0x3FAD] =	sst s7  }
0x10: {  	[smem:$0x3FAE] =	sst s8  }
0x11: {  	[smem:$0x3FAF] =	sst s9;
	s0 =	simm.s32 @!p0 $0x0  }
0x12: {  	s1 =	sld [smem:$0x3F95];
	s0 =	simm.s32 @p0 $0x1  }
0x13: {  	[smem:$0x3FB0] =	sst s0;
	s0 =	simm.s32 @!p1 $0x0  }
0x14: {  	s2 =	sld [smem:$0x3F94];
	s0 =	simm.s32 @p1 $0x1  }
0x15: {  	[smem:$0x3FB1] =	sst s0;
	s0 =	simm.s32 @!p2 $0x0  }
0x16: {  	s3 =	sld [smem:$0x3FDB];
	s0 =	simm.s32 @p2 $0x1  }
0x17: {  	s4 =	simm.s32 $0x1BF5;
	[smem:$0x3FB3] =	sst s0  }
0x18: {  	s0 =	sld [smem:$0x3F96];
	_ =	swait.ge [sflag:s4], $0x0  }
0x19: {  	s7 =	sld [smem:$0x3F97]  }
0x1a: {  	s8 =	sadd.s32 $0xFFFFE003, lr  }
0x1b: {  	s9 =	sadd.s32 $0xFFFFFEF7, lr;
	s5 =	simm.s32 $0xFFFFFFFF;
	p2 =	slt.u32 s8, $0xFFFFF086  }
0x1c: {  	p1 =	slt.u32 s9, $0xF7A;
	s5 =	simm.s32 @!p2 $0x0  }
0x1d: {  	s5 =	simm.s32 @p1 $0x1;
	p0 =	seq.s32 s7, s2  }
0x1e: {  	s7 =	smul.u32 @!p0 $0xF7A, s2;
	p2 =	seq.s32 @!p0 s5, $0x0  }
0x1f: {  	s9 =	smul.u32 $0xF7A, s1;
	s8 =	simm.s32 @!p0 $0x1BF5;
	p2 =	por !p2, p0  }
0x20: {  	[sflag:s8] =	ssyncset.s32 @!p0 $0xFFFFF086;
	s6 =	sadd.s32 @!p0 s3, s7;
	s7 =	simm.s32 @!p0 $0x108  }
0x21: {  	s3 =	sadd.s32 s3, s9;
	s6 =	sadd.s32 @!p0 $0x88, s6;
	s7 =	simm.s32 @p2 $0x1082  }
0x22: {  	[simem:s7], [sflag:s8] =	dma.local @!p0 [hbm:s6], $0xF7A  }
0x23: {  	s9 =	sor.u32 $0xD0000000, s2;
	s6 =	simm.s32 $0x108;
	_ =	swait.ge @!p0 [sflag:s8], $0x0  }
0x24: {  	s3 =	sadd.s32 $0x88, s3;
	s6 =	simm.s32 @!p1 $0x1082;
	[sflag:s4] =	ssyncset.s32 $0xFFFFF086  }
0x25: {  	[simem:s6], [sflag:s4] =	dma.local [hbm:s3], $0xF7A  }
0x26: {  	[smem:$0x3F97] =	sst s1;
	(tag) =	ssettag s2;
	_ =	strace s9  }
0x27: {  	s1 =	sld [smem:$0x3FA7]  }
0x28: {  	s2 =	sld [smem:$0x3FA8]  }
0x29: {  	s4 =	sld [smem:$0x3FAA]  }
0x2a: {  	p0 =	seq.s32 s5, $0x0;
	s5 =	sld [smem:$0x3FAB]  }
0x2b: {  	s6 =	sld [smem:$0x3FAC]  }
0x2c: {  	s7 =	sld [smem:$0x3FAD]  }
0x2d: {  	s3 =	simm.s32 $0x108;
	s8 =	sld [smem:$0x3FAE]  }
0x2e: {  	s3 =	simm.s32 @!p0 $0x1082;
	s9 =	sld [smem:$0x3FAF]  }
0x2f: {  	lr =	sadd.s32 s0, s3;
	s0 =	sld [smem:$0x3FA6]  }
0x30: {  	s3 =	sld [smem:$0x3FA9]  }
0x31: {  	[smem:$0x3FB2] =	sst s10  }
0x32: {  	s10 =	sld [smem:$0x3FB0];
	_ =	sdelay $0x3  }
0x33: {  	p0 =	seq.s32 s10, $0x1;
	s10 =	sld [smem:$0x3FB2];
	_ =	sdelay $0x3  }
0x34: {  	[smem:$0x3FB2] =	sst s10  }
0x35: {  	s10 =	sld [smem:$0x3FB1];
	_ =	sdelay $0x3  }
0x36: {  	p1 =	seq.s32 s10, $0x1;
	s10 =	sld [smem:$0x3FB2];
	_ =	sdelay $0x3  }
0x37: {  	[smem:$0x3FB2] =	sst s10  }
0x38: {  	s10 =	sld [smem:$0x3FB3]  }
0x39: {  	_ = 	snop;
	(pc) =	sbr.ind lr, $3  }
0x3a: {  	_ = 	snop  }
0x3b: {  	_ = 	snop  }
0x3c: {  	p2 =	seq.s32 s10, $0x1;
	s10 =	sld [smem:$0x3FB2]  }
0x3d: {  	_ =	shalt  }
0x3e: {  	_ =	shalt  }
0x3f: {  	_ =	shalt  }
0x40: {  	_ =	shalt  }
0x41: {  	_ =	shalt  }
0x42: {  	_ =	shalt  }
0x43: {  	_ =	shalt  }
0x44: {  	_ =	shalt  }
0x45: {  	_ =	shalt  }
0x46: {  	_ =	shalt  }
0x47: {  	_ =	shalt  }
0x48: {  	_ =	shalt  }
0x49: {  	_ =	shalt  }
0x4a: {  	_ =	shalt  }
0x4b: {  	_ =	shalt  }
0x4c: {  	_ =	shalt  }
0x4d: {  	_ =	shalt  }
0x4e: {  	_ =	shalt  }
0x4f: {  	_ =	shalt  }
0x50: {  	_ =	shalt  }
0x51: {  	_ =	shalt  }
0x52: {  	_ =	shalt  }
0x53: {  	_ =	shalt  }
0x54: {  	_ =	shalt  }
0x55: {  	_ =	shalt  }
0x56: {  	_ =	shalt  }
0x57: {  	_ =	shalt  }
0x58: {  	_ =	shalt  }
0x59: {  	_ =	shalt  }
0x5a: {  	_ =	shalt  }
0x5b: {  	_ =	shalt  }
0x5c: {  	_ =	shalt  }
0x5d: {  	_ =	shalt  }
0x5e: {  	_ =	shalt  }
0x5f: {  	_ =	shalt  }
0x60: {  	_ =	shalt  }
0x61: {  	_ =	shalt  }
0x62: {  	_ =	shalt  }
0x63: {  	_ =	shalt  }
0x64: {  	_ =	shalt  }
0x65: {  	_ =	shalt  }
0x66: {  	_ =	shalt  }
0x67: {  	_ =	shalt  }
0x68: {  	_ =	shalt  }
0x69: {  	_ =	shalt  }
0x6a: {  	_ =	shalt  }
0x6b: {  	_ =	shalt  }
0x6c: {  	_ =	shalt  }
0x6d: {  	_ =	shalt  }
0x6e: {  	_ =	shalt  }
0x6f: {  	_ =	shalt  }
0x70: {  	_ =	shalt  }
0x71: {  	_ =	shalt  }
0x72: {  	_ =	shalt  }
0x73: {  	_ =	shalt  }
0x74: {  	_ =	shalt  }
0x75: {  	_ =	shalt  }
0x76: {  	_ =	shalt  }
0x77: {  	_ =	shalt  }
0x78: {  	_ =	shalt  }
0x79: {  	_ =	shalt  }
0x7a: {  	_ =	shalt  }
0x7b: {  	_ =	shalt  }
0x7c: {  	_ =	shalt  }
0x7d: {  	_ =	shalt  }
0x7e: {  	_ =	shalt  }
0x7f: {  	_ =	shalt  }
0x80: {  	_ =	shalt  }
0x81: {  	_ =	shalt  }
0x82: {  	_ =	shalt  }
0x83: {  	_ =	shalt  }
0x84: {  	_ =	shalt  }
0x85: {  	_ =	shalt  }
0x86: {  	_ =	shalt  }
0x87: {  	_ =	shalt  }
.Lfunc_end0:
.L_simem_size_0:
called_computation.1_lowered:
.L_overlay_start_0:
0x88: {  	s2 =	sld [smem:$0x3FD9]  }
0x89: {  	s3 =	sld [smem:$0x3FFE];
	_ =	sdelay $0x1  }
0x8a: {  	s1 =	srdreg.scid  }
0x8b: {  	s0 =	sand.u32 $0x1, s1  }
0x8c: {  	s17 =	sshll.u32 s0, $0xA;
	s2 =	sadd.s32 s3, s2  }
0x8d: {  	s2 =	sadd.s32 s2, s17  }
0x8e: {  	[smem:$0x3FBE] =	sst s2  }
0x8f: {  	_ = 	snop  }
0x90: {  	s18 =	sld [smem:$0x3FD0];
	(tm) =	ssettm $0x1  }
0x91: {  	s19 =	sld [smem:$0x3FFB];
	_ =	sdelay $0x3  }
0x92: {  	_ =	strace s19  }
0x93: {  	s2 =	sld [smem:$0x3FFC];
	_ =	sdelay $0x3  }
0x94: {  	_ =	strace s2  }
0x95: {  	s2 =	sld [smem:$0x3FFD];
	_ =	sdelay $0x3  }
0x96: {  	_ =	strace s2  }
0x97: {  	_ =	strace $0x8FFFFFFF  }
0x98: {  	s20 =	sld [smem:$0x3FDB];
	_ =	sdelay $0x1  }
0x99: {  	s4 =	simm.s32 $_scs_section_size  }
0x9a: {  	s5 =	simm.s32 $_size__tile_overlayer_lowered;
	s6 =	simm.s32 $_tile_overlayer_lowered  }
0x9b: {  	s7 =	simm.s32 $0x1BFF;
	s21 =	sshll.u32 s6, $0x1;
	s4 =	sadd.s32 s4, s20  }
0x9c: {  	s22 =	simm.s32 $0x0;
	s5 =	sshll.u32 s5, $0x1;
	s6 =	sadd.s32 s21, s4  }
0x9d: {  	[timem:s22], [sflag:s7] =	dma.local [hbm:s6], s5  }
0x9e: {  	_ =	swait.ge [sflag:s7], s5  }
0x9f: {  	s5 =	ssub.s32 $0x0, s5;
	[sflag:s7] =	ssyncset.done $0x0  }
0xa0: {  	[sflag:s7] =	ssyncadd.s32 s5;
	_ =	sdelay $0x1  }
0xa1: {  	s23 =	simm.s32 $0x1B8B  }
0xa2: {  	_ =	swait.ge [sflag:s23], $0x1  }
0xa3: {  	[sflag:s23] =	ssyncset.done $0x0  }
0xa4: {  	[sflag:s23] =	ssyncadd.s32 $0xFFFFFFFF  }
0xa5: {  	s5 =	sld [smem:$0x0]  }
0xa6: {  	s6 =	sand.u32 $0xFFFFFFFE, s1  }
0xa7: {  	p0 =	sne.s32 s1, s6  }
0xa8: {  	s6 =	sshll.u32 @p0 s6, $0xE  }
0xa9: {  	s6 =	sadd.s32 @p0 $0x11B8D, s6;
	s7 =	sshll.u32 @p0 s5, $0x11  }
0xaa: {  	s6 =	sor.u32 @p0 s7, s6  }
0xab: {  	[sflag:s6] =	ssyncadd.remote.s32 @p0 $0x1;
	_ =	sdelay $0x1  }
0xac: {  	s6 =	simm.s32 @p0 $0x1B8D  }
0xad: {  	_ =	swait.eq @p0 [sflag:s6], $0x1  }
0xae: {  	[sflag:s6] =	ssyncadd.s32 @p0 $0xFFFFFFFF  }
0xaf: {  	s7 =	sshll.u32 @!p0 s1, $0xE  }
0xb0: {  	s7 =	sor.u32 @!p0 $0x4000, s7;
	s6 =	simm.s32 @!p0 $0x1B8D  }
0xb1: {  	s5 =	sshll.u32 @!p0 s5, $0x11;
	s7 =	sadd.s32 @!p0 $0x11B8D, s7;
	_ =	swait.eq @!p0 [sflag:s6], $0x1  }
0xb2: {  	s5 =	sor.u32 @!p0 s5, s7;
	[sflag:s6] =	ssyncadd.s32 @!p0 $0xFFFFFFFF  }
0xb3: {  	s25 =	simm.s32 $0x1B8E;
	s24 =	sld [smem:$0x3FFE];
	[sflag:s5] =	ssyncadd.remote.s32 @!p0 $0x1  }
0xb4: {  	s26 =	simm.s32 $execute0_lowered;
	[smem:$0x3FD2] =	sst s25  }
0xb5: {  	s6 =	sshll.u32 s26, $0x1;
	_ =	strace $0x80000049;
	[dreg:$0x1] =	wrdreg $0xFFFFFFFF  }
0xb6: {  	s28 =	simm.s32 $_size_execute0_lowered;
	s4 =	sadd.s32 s4, s6;
	[dreg:$0x0] =	wrdreg $0x0  }
0xb7: {  	s6 =	sshll.u32 s28, $0x1;
	[dreg:$0x2] =	wrdreg s4  }
0xb8: {  	[dreg:$0x3] =	wrdreg s6  }
0xb9: {  	[dreg:$0x4] =	wrdreg $0xC0  }
0xba: {  	_ =	task [dreg:s22], $0x5FFFF  }
0xbb: {  	[dreg:$0x1] =	wrdreg $0xFFFFFFFF  }
0xbc: {  	[dreg:$0x0] =	wrdreg $0x60  }
0xbd: {  	[dreg:$0x2] =	wrdreg s18  }
0xbe: {  	[dreg:$0x3] =	wrdreg s24  }
0xbf: {  	[dreg:$0x4] =	wrdreg $0x68000  }
0xc0: {  	[dreg:$0x5] =	wrdreg $0xA  }
0xc1: {  	_ =	task.clear_ibuf [dreg:s22], $0x6FFFF;
	_ =	strace $0x90000049  }
0xc2: {  	s29 =	simm.s32 $0xA;
	_ =	strace $0x8000004B  }
0xc3: {  	_ =	swait.ge [sflag:s29], $0x1  }
0xc4: {  	[sflag:s29] =	ssyncadd.s32 $0xFFFFFFFF  }
0xc5: {  	_ =	strace $0x9000004B  }
0xc6: {  	_ =	sfence  }
0xc7: {  	s30 =	sld [smem:$0x0];
	_ =	sdelay $0x2  }
0xc8: {  	s31 =	sshll.u32 s1, $0xD;
	s1 =	sshrl.u32 s1, $0x2  }
0xc9: {  	s4 =	sand.u32 $0x4000, s31;
	s1 =	sadd.s32 s1, s30  }
0xca: {  	s0 =	sor.u32 s4, s0;
	s1 =	sshll.u32 s1, $0x11  }
0xcb: {  	s0 =	sor.u32 s1, s0  }
0xcc: {  	s0 =	sadd.s32 $0x8F2B, s0  }
0xcd: {  	[sflag:s0] =	ssyncadd.remote.s32 $0x1  }
0xce: {  	_ =	sfence.sel $0xFFFF  }
0xcf: {  	[dreg:$0x0] =	wrdreg $0xFFFFFFFF;
	(pc) =	sbr.abs _section_cstart, $3  }
0xd0: {  	[dreg:$0x1] =	wrdreg $0xFFFFFFFF  }
0xd1: {  	_ =	task.clear_ibuf [dreg:s22], $0x2FFFF;
	_ =	strace $0x9FFFFFFF  }
0xd2: {  	(tm) =	ssettm $0x7FFFFFFF  }
0xd3: {  	_ =	shalt  }
tec
execute0_lowered:
.L_overlay_start_1:
0x0: {  	(tag) =	ssettag $0x1  }
0x1: {  	s5 =	rddreg [dreg:$0x0]  }
0x2: {  	s6 =	rddreg [dreg:$0x1]  }
0x3: {  	s2 =	rddreg [dreg:$0x2];
	s3 =	srdreg.scid  }
0x4: {  	s0 =	rddreg [dreg:$0x3];
	s1 =	stileid.u32;
	s15 =	simm.s32 $0x1  }
0x5: {  	s7 =	sand.u32 $0x1, s3;
	s3 =	simm.s32 $0x0;
	s16 =	smul.u32 $0x2800, s1  }
0x6: {  	s4 =	sshll.u32 s1, $0xB;
	s11 =	smul.u32 $0x50000, s1;
	s31 =	sshll.u32 s1, $0x6  }
0x7: {  	s8 =	sshll.u32 s7, $0xA;
	[smem:$0x7FF] =	sst s3;
	s10 =	smul.u32 $0x28000, s7  }
0x8: {  	s7 =	ssub.s32 $0x2, s7;
	s8 =	sor.u32 s8, s4;
	_ =	strace $0x8000004A  }
0x9: {  	s4 =	sadd.s32 $0x34000, s6;
	s12 =	sadd.s32 s16, s6;
	s29 =	sshrl.u32 s7, $0x1  }
0xa: {  	s30 =	sshrl.u32 s11, $0x2;
	s11 =	sor.u32 $0x1C02, s31;
	s9 =	sadd.s32 s8, s6  }
0xb: {  	s10 =	sadd.s32 s10, s6;
	s13 =	ssub.s32 s7, s29;
	s5 =	sadd.s32 s5, s8  }
0xc: {  	s14 =	sadd.s32 s30, s2;
	s7 =	sadd.s32 $0x5C000, s12;
	s6 =	sadd.s32 $0x4000, s9  }
0xd: {  	s17 =	sadd.s32 $0xD4000, s10;
	s8 =	smax.u32 s13, $0x1;
	s9 =	simm.s32 $0x2  }
0xe: {  	s10 =	simm.s32 $0x2000;
	s12 =	sshrl.u32 s14, $0x3;
	s13 =	simm.s32 $0x50  }
0xf: {  	s14 =	simm.s32 $0x4000;
	s16 =	sadd.s32 s16, s17;
	s17 =	simm.s32 $0x0  }
.LBB2_1:
0x10: {  	[tilespmem:s3], [sflag:$0x2] =	stream.linear.gather [hbm4b:s5+s3], $0x1F80, $0x38;
	[tilespmem:$0x1A800] =	vst v63  }
0x11: {  	_ =	swait.ge [sflag:s9], $0x1F80  }
0x12: {  	[sflag:s9] =	ssyncset.done $0x0  }
0x13: {  	[sflag:s9] =	ssyncadd.s32 $0xFFFFE080  }
0x14: {  	[tilespmem:s10], [sflag:$0x2] =	stream.linear.gather [hbm4b:s6+s3], $0x1F80, $0x38;
	[tilespmem:$0x1A800] =	vst v63  }
0x15: {  	_ =	swait.ge [sflag:s9], $0x1F80  }
0x16: {  	[sflag:s9] =	ssyncset.done $0x0  }
0x17: {  	[sflag:s9] =	ssyncadd.s32 $0xFFFFE080  }
0x18: {  	[spmem:s12], [sflag:s11] =	dma.local [hbm:s7], $0x2800  }
0x19: {  	_ =	swait.ge [sflag:s9], $0x2800  }
0x1a: {  	[sflag:s9] =	ssyncset.done $0x0  }
0x1b: {  	[sflag:s9] =	ssyncadd.s32 $0xFFFFD800  }
0x1c: {  	s18 =	simm.s32 $0x0;
	[bflag:$0x0] =	sbarrier.arrive $0xFFFF  }
0x1d: {  	[tilespmem:s14], [sflag:$0x1] =	stream.indirect.gather [hbm4b:s4+s13], $0x80, s18, s13, $0xb8;
	[tilespmem:$0x1A800] =	vst v63  }
0x1e: {  	_ =	swait.ge [sflag:s15], $0x2800  }
0x1f: {  	[sflag:s15] =	ssyncset.done $0x0  }
0x20: {  	s31 =	simm.s32 $0x2000;
	[sflag:s15] =	ssyncadd.s32 $0xFFFFD800  }
0x21: {  	[spmem:s2] =	stream.indirect.scatter.add.f32 [tilespmem:s14], [sflag:$0x2], $0x80, s31, s13, $0xb8;
	[tilespmem:$0x1A800] =	vst v63  }
0x22: {  	_ =	swait.ge [sflag:s9], $0x2800  }
0x23: {  	s19 =	simm.s32 $0x400;
	s18 =	simm.s32 $0x200;
	[sflag:s9] =	ssyncset.done $0x0  }
.LBB2_2:
0x24: {  	s20 =	sshra.s32 s18, $0x2  }
0x25: {  	[sflag:s9] =	ssyncadd.s32 $0xFFFFD800;
	s18 =	smov.u32 s19;
	s21 =	sadd.s32 $0x200, s19  }
0x26: {  	[tilespmem:s14], [sflag:$0x1] =	stream.indirect.gather [hbm4b:s4+s13], $0x80, s20, s13, $0xb8;
	[tilespmem:$0x1A800] =	vst v63  }
0x27: {  	p0 =	sne.s32 s19, $0x7C00;
	_ =	swait.ge [sflag:s15], $0x2800  }
.Ltmp0:
0x28: {  	[sflag:s15] =	ssyncset.done $0x0;
	(pc) =	sbr.rel @p0 .LBB2_2-.Ltmp0, $4  }
0x29: {  	s19 =	sadd.s32 $0x2000, s20;
	[sflag:s15] =	ssyncadd.s32 $0xFFFFD800  }
0x2a: {  	[spmem:s2] =	stream.indirect.scatter.add.f32 [tilespmem:s14], [sflag:$0x2], $0x80, s19, s13, $0xb8;
	[tilespmem:$0x1A800] =	vst v63  }
0x2b: {  	_ =	swait.ge [sflag:s9], $0x2800  }
0x2c: {  	s19 =	smov.u32 s21;
	[sflag:s9] =	ssyncset.done $0x0  }
0x2d: {  	s18 =	sshra.s32 s18, $0x2;
	[sflag:s9] =	ssyncadd.s32 $0xFFFFD800  }
0x2e: {  	[tilespmem:s14], [sflag:$0x1] =	stream.indirect.gather [hbm4b:s4+s13], $0x80, s18, s13, $0xb8;
	[tilespmem:$0x1A800] =	vst v63  }
0x2f: {  	_ =	swait.ge [sflag:s15], $0x2800  }
0x30: {  	[sflag:s15] =	ssyncset.done $0x0  }
0x31: {  	s18 =	sadd.s32 $0x2000, s18;
	[sflag:s15] =	ssyncadd.s32 $0xFFFFD800  }
0x32: {  	[spmem:s2] =	stream.indirect.scatter.add.f32 [tilespmem:s14], [sflag:$0x2], $0x80, s18, s13, $0xb8;
	[tilespmem:$0x1A800] =	vst v63  }
0x33: {  	_ =	swait.ge [sflag:s9], $0x2800  }
0x34: {  	s17 =	sadd.s32 $0x1, s17;
	[sflag:s9] =	ssyncset.done $0x0  }
0x35: {  	p0 =	sne.s32 s17, s8;
	[sflag:s9] =	ssyncadd.s32 $0xFFFFD800  }
.Ltmp1:
0x36: {  	[bflag:$0x0] =	sbarrier.arrive $0xFFFF;
	(pc) =	sbr.rel @p0 .LBB2_1-.Ltmp1, $4  }
0x37: {  	[hbm:s16], [sflag:s11] =	dma.local [spmem:s12], $0x2800  }
0x38: {  	_ =	swait.ge [sflag:s9], $0x2800  }
0x39: {  	[sflag:s9] =	ssyncset.done $0x0  }
0x3a: {  	[sflag:s9] =	ssyncadd.s32 $0xFFFFD800  }
0x3b: {  	_ =	sfence.sel $0x180000  }
0x3c: {  	[bflag:$0x0] =	sbarrier.arrive $0xFFFF  }
0x3d: {  	p0 =	sne.s32 s1, $0x0;
	_ =	strace $0x9000004A  }
0x3e: {  	s0 =	sadd.s32 @!p0 $0x100000, s0;
	[bflag:$0x2] =	sbarrier.arrive $0xFFFF  }
0x3f: {  	[sflag:s0] =	ssyncadd.tile.s32 @!p0 $0x1;
	_ =	shalt  }
.Lfunc_end2:
_tile_overlayer_lowered:
.L_overlay_start_2:
0x40: {  	(tag) =	ssettag $0x2  }
0x41: {  	s0 =	rddreg [dreg:$0x0];
	s2 =	stileid.u32  }
0x42: {  	s1 =	rddreg [dreg:$0x1];
	p0 =	sne.s32 s2, $0x0  }
0x43: {  	s3 =	rddreg [dreg:$0x2];
	[bflag:$0x3] =	sbarrier.arrive $0xFFFF;
	s2 =	simm.s32 @!p0 $0x1C02  }
0x44: {  	[timem:s3], [sflag:s2] =	dma.local @!p0 [hbm:s0], s1  }
0x45: {  	s0 =	simm.s32 @!p0 $0x2  }
0x46: {  	_ =	swait.ge @!p0 [sflag:s0], s1  }
0x47: {  	s1 =	ssub.s32 @!p0 $0x0, s1;
	[sflag:s0] =	ssyncset.done @!p0 $0x0  }
0x48: {  	[sflag:s0] =	ssyncadd.s32 @!p0 s1  }
0x49: {  	[bflag:$0x3] =	sbarrier.arrive $0xFFFF  }
0x4a: {  	_ =	shalt  }

// kernel: kernel.17.cloned.1.call-start
scs
__scs_entry_jumppad:
0x0: {  	(pc) =	sbr.rel $0x88, $3  }
0x1: {  	(tag) =	ssettag $0x0;
	lr =	simm.s32 $0x1  }
0x2: {  	[smem:$0x3F97] =	sst lr;
	_ =	strace $0xD0000000  }
0x3: {  	_ = 	snop  }
0x4: {  	_ = 	snop  }
0x5: {  	_ = 	snop  }
0x6: {  	_ = 	snop  }
0x7: {  	_ = 	snop  }
__scs_overlays_trampoline_lowered:
0x8: {  	[smem:$0x3FA6] =	sst s0  }
0x9: {  	[smem:$0x3FA7] =	sst s1  }
0xa: {  	[smem:$0x3FA8] =	sst s2  }
0xb: {  	[smem:$0x3FA9] =	sst s3  }
0xc: {  	[smem:$0x3FAA] =	sst s4  }
0xd: {  	[smem:$0x3FAB] =	sst s5  }
0xe: {  	[smem:$0x3FAC] =	sst s6  }
0xf: {  	[smem:$0x3FAD] =	sst s7  }
0x10: {  	[smem:$0x3FAE] =	sst s8  }
0x11: {  	[smem:$0x3FAF] =	sst s9;
	s0 =	simm.s32 @!p0 $0x0  }
0x12: {  	s1 =	sld [smem:$0x3F95];
	s0 =	simm.s32 @p0 $0x1  }
0x13: {  	[smem:$0x3FB0] =	sst s0;
	s0 =	simm.s32 @!p1 $0x0  }
0x14: {  	s2 =	sld [smem:$0x3F94];
	s0 =	simm.s32 @p1 $0x1  }
0x15: {  	[smem:$0x3FB1] =	sst s0;
	s0 =	simm.s32 @!p2 $0x0  }
0x16: {  	s3 =	sld [smem:$0x3FDB];
	s0 =	simm.s32 @p2 $0x1  }
0x17: {  	s4 =	simm.s32 $0x1BF5;
	[smem:$0x3FB3] =	sst s0  }
0x18: {  	s0 =	sld [smem:$0x3F96];
	_ =	swait.ge [sflag:s4], $0x0  }
0x19: {  	s7 =	sld [smem:$0x3F97]  }
0x1a: {  	s8 =	sadd.s32 $0xFFFFE003, lr  }
0x1b: {  	s9 =	sadd.s32 $0xFFFFFEF7, lr;
	s5 =	simm.s32 $0xFFFFFFFF;
	p2 =	slt.u32 s8, $0xFFFFF086  }
0x1c: {  	p1 =	slt.u32 s9, $0xF7A;
	s5 =	simm.s32 @!p2 $0x0  }
0x1d: {  	s5 =	simm.s32 @p1 $0x1;
	p0 =	seq.s32 s7, s2  }
0x1e: {  	s7 =	smul.u32 @!p0 $0xF7A, s2;
	p2 =	seq.s32 @!p0 s5, $0x0  }
0x1f: {  	s9 =	smul.u32 $0xF7A, s1;
	s8 =	simm.s32 @!p0 $0x1BF5;
	p2 =	por !p2, p0  }
0x20: {  	[sflag:s8] =	ssyncset.s32 @!p0 $0xFFFFF086;
	s6 =	sadd.s32 @!p0 s3, s7;
	s7 =	simm.s32 @!p0 $0x108  }
0x21: {  	s3 =	sadd.s32 s3, s9;
	s6 =	sadd.s32 @!p0 $0x88, s6;
	s7 =	simm.s32 @p2 $0x1082  }
0x22: {  	[simem:s7], [sflag:s8] =	dma.local @!p0 [hbm:s6], $0xF7A  }
0x23: {  	s9 =	sor.u32 $0xD0000000, s2;
	s6 =	simm.s32 $0x108;
	_ =	swait.ge @!p0 [sflag:s8], $0x0  }
0x24: {  	s3 =	sadd.s32 $0x88, s3;
	s6 =	simm.s32 @!p1 $0x1082;
	[sflag:s4] =	ssyncset.s32 $0xFFFFF086  }
0x25: {  	[simem:s6], [sflag:s4] =	dma.local [hbm:s3], $0xF7A  }
0x26: {  	[smem:$0x3F97] =	sst s1;
	(tag) =	ssettag s2;
	_ =	strace s9  }
0x27: {  	s1 =	sld [smem:$0x3FA7]  }
0x28: {  	s2 =	sld [smem:$0x3FA8]  }
0x29: {  	s4 =	sld [smem:$0x3FAA]  }
0x2a: {  	p0 =	seq.s32 s5, $0x0;
	s5 =	sld [smem:$0x3FAB]  }
0x2b: {  	s6 =	sld [smem:$0x3FAC]  }
0x2c: {  	s7 =	sld [smem:$0x3FAD]  }
0x2d: {  	s3 =	simm.s32 $0x108;
	s8 =	sld [smem:$0x3FAE]  }
0x2e: {  	s3 =	simm.s32 @!p0 $0x1082;
	s9 =	sld [smem:$0x3FAF]  }
0x2f: {  	lr =	sadd.s32 s0, s3;
	s0 =	sld [smem:$0x3FA6]  }
0x30: {  	s3 =	sld [smem:$0x3FA9]  }
0x31: {  	[smem:$0x3FB2] =	sst s10  }
0x32: {  	s10 =	sld [smem:$0x3FB0];
	_ =	sdelay $0x3  }
0x33: {  	p0 =	seq.s32 s10, $0x1;
	s10 =	sld [smem:$0x3FB2];
	_ =	sdelay $0x3  }
0x34: {  	[smem:$0x3FB2] =	sst s10  }
0x35: {  	s10 =	sld [smem:$0x3FB1];
	_ =	sdelay $0x3  }
0x36: {  	p1 =	seq.s32 s10, $0x1;
	s10 =	sld [smem:$0x3FB2];
	_ =	sdelay $0x3  }
0x37: {  	[smem:$0x3FB2] =	sst s10  }
0x38: {  	s10 =	sld [smem:$0x3FB3]  }
0x39: {  	_ = 	snop;
	(pc) =	sbr.ind lr, $3  }
0x3a: {  	_ = 	snop  }
0x3b: {  	_ = 	snop  }
0x3c: {  	p2 =	seq.s32 s10, $0x1;
	s10 =	sld [smem:$0x3FB2]  }
0x3d: {  	_ =	shalt  }
0x3e: {  	_ =	shalt  }
0x3f: {  	_ =	shalt  }
0x40: {  	_ =	shalt  }
0x41: {  	_ =	shalt  }
0x42: {  	_ =	shalt  }
0x43: {  	_ =	shalt  }
0x44: {  	_ =	shalt  }
0x45: {  	_ =	shalt  }
0x46: {  	_ =	shalt  }
0x47: {  	_ =	shalt  }
0x48: {  	_ =	shalt  }
0x49: {  	_ =	shalt  }
0x4a: {  	_ =	shalt  }
0x4b: {  	_ =	shalt  }
0x4c: {  	_ =	shalt  }
0x4d: {  	_ =	shalt  }
0x4e: {  	_ =	shalt  }
0x4f: {  	_ =	shalt  }
0x50: {  	_ =	shalt  }
0x51: {  	_ =	shalt  }
0x52: {  	_ =	shalt  }
0x53: {  	_ =	shalt  }
0x54: {  	_ =	shalt  }
0x55: {  	_ =	shalt  }
0x56: {  	_ =	shalt  }
0x57: {  	_ =	shalt  }
0x58: {  	_ =	shalt  }
0x59: {  	_ =	shalt  }
0x5a: {  	_ =	shalt  }
0x5b: {  	_ =	shalt  }
0x5c: {  	_ =	shalt  }
0x5d: {  	_ =	shalt  }
0x5e: {  	_ =	shalt  }
0x5f: {  	_ =	shalt  }
0x60: {  	_ =	shalt  }
0x61: {  	_ =	shalt  }
0x62: {  	_ =	shalt  }
0x63: {  	_ =	shalt  }
0x64: {  	_ =	shalt  }
0x65: {  	_ =	shalt  }
0x66: {  	_ =	shalt  }
0x67: {  	_ =	shalt  }
0x68: {  	_ =	shalt  }
0x69: {  	_ =	shalt  }
0x6a: {  	_ =	shalt  }
0x6b: {  	_ =	shalt  }
0x6c: {  	_ =	shalt  }
0x6d: {  	_ =	shalt  }
0x6e: {  	_ =	shalt  }
0x6f: {  	_ =	shalt  }
0x70: {  	_ =	shalt  }
0x71: {  	_ =	shalt  }
0x72: {  	_ =	shalt  }
0x73: {  	_ =	shalt  }
0x74: {  	_ =	shalt  }
0x75: {  	_ =	shalt  }
0x76: {  	_ =	shalt  }
0x77: {  	_ =	shalt  }
0x78: {  	_ =	shalt  }
0x79: {  	_ =	shalt  }
0x7a: {  	_ =	shalt  }
0x7b: {  	_ =	shalt  }
0x7c: {  	_ =	shalt  }
0x7d: {  	_ =	shalt  }
0x7e: {  	_ =	shalt  }
0x7f: {  	_ =	shalt  }
0x80: {  	_ =	shalt  }
0x81: {  	_ =	shalt  }
0x82: {  	_ =	shalt  }
0x83: {  	_ =	shalt  }
0x84: {  	_ =	shalt  }
0x85: {  	_ =	shalt  }
0x86: {  	_ =	shalt  }
0x87: {  	_ =	shalt  }
.Lfunc_end0:
.L_simem_size_0:
called_computation.2_lowered:
.L_overlay_start_0:
0x88: {  	s2 =	sld [smem:$0x3FD9]  }
0x89: {  	s3 =	sld [smem:$0x3FFE];
	_ =	sdelay $0x1  }
0x8a: {  	s1 =	srdreg.scid  }
0x8b: {  	s0 =	sand.u32 $0x1, s1  }
0x8c: {  	s17 =	sshll.u32 s0, $0xA;
	s2 =	sadd.s32 s3, s2  }
0x8d: {  	s2 =	sadd.s32 s2, s17  }
0x8e: {  	[smem:$0x3FBE] =	sst s2  }
0x8f: {  	_ = 	snop  }
0x90: {  	s2 =	sld [smem:$0x3FD0];
	(tm) =	ssettm $0x1  }
0x91: {  	s18 =	sld [smem:$0x3FFB];
	_ =	sdelay $0x3  }
0x92: {  	_ =	strace s18  }
0x93: {  	s3 =	sld [smem:$0x3FFC];
	_ =	sdelay $0x3  }
0x94: {  	_ =	strace s3  }
0x95: {  	s3 =	sld [smem:$0x3FFD];
	_ =	sdelay $0x3  }
0x96: {  	_ =	strace s3  }
0x97: {  	_ =	strace $0x8FFFFFFF  }
0x98: {  	s19 =	sld [smem:$0x3FDB];
	_ =	sdelay $0x1  }
0x99: {  	s4 =	simm.s32 $_scs_section_size  }
0x9a: {  	s5 =	simm.s32 $_size__tile_overlayer_lowered;
	s6 =	simm.s32 $_tile_overlayer_lowered  }
0x9b: {  	s22 =	simm.s32 $0x1BFF;
	s21 =	sshll.u32 s6, $0x1;
	s3 =	sadd.s32 s4, s19  }
0x9c: {  	s7 =	simm.s32 $0x0;
	s20 =	sshll.u32 s5, $0x1;
	s5 =	sadd.s32 s21, s3  }
0x9d: {  	[timem:s7], [sflag:s22] =	dma.local [hbm:s5], s20  }
0x9e: {  	_ =	swait.ge [sflag:s22], s20  }
0x9f: {  	s4 =	ssub.s32 $0x0, s20;
	[sflag:s22] =	ssyncset.done $0x0  }
0xa0: {  	[sflag:s22] =	ssyncadd.s32 s4;
	_ =	sdelay $0x1  }
0xa1: {  	s23 =	simm.s32 $0x1B8B  }
0xa2: {  	_ =	swait.ge [sflag:s23], $0x1  }
0xa3: {  	[sflag:s23] =	ssyncset.done $0x0  }
0xa4: {  	s25 =	simm.s32 $0x1B8E;
	s24 =	sld [smem:$0x3FFE];
	[sflag:s23] =	ssyncadd.s32 $0xFFFFFFFF  }
0xa5: {  	s26 =	simm.s32 $execute0_lowered;
	[smem:$0x3FD2] =	sst s25  }
0xa6: {  	s5 =	sshll.u32 s26, $0x1;
	_ =	strace $0x80000046;
	[dreg:$0x1] =	wrdreg $0xFFFFFFFF  }
0xa7: {  	s28 =	simm.s32 $_size_execute0_lowered;
	s3 =	sadd.s32 s3, s5;
	[dreg:$0x0] =	wrdreg $0x0  }
0xa8: {  	s5 =	sshll.u32 s28, $0x1;
	[dreg:$0x2] =	wrdreg s3  }
0xa9: {  	[dreg:$0x3] =	wrdreg s5  }
0xaa: {  	[dreg:$0x4] =	wrdreg $0xC0  }
0xab: {  	_ =	task [dreg:s7], $0x5FFFF  }
0xac: {  	[dreg:$0x1] =	wrdreg $0xFFFFFFFF  }
0xad: {  	[dreg:$0x0] =	wrdreg $0x60  }
0xae: {  	[dreg:$0x2] =	wrdreg s2  }
0xaf: {  	[dreg:$0x3] =	wrdreg s24  }
0xb0: {  	[dreg:$0x4] =	wrdreg $0x68000  }
0xb1: {  	[dreg:$0x5] =	wrdreg $0xB  }
0xb2: {  	_ =	task.clear_ibuf [dreg:s7], $0x6FFFF;
	_ =	strace $0x90000046  }
0xb3: {  	s29 =	simm.s32 $0xB;
	_ =	strace $0x80000048  }
0xb4: {  	_ =	swait.ge [sflag:s29], $0x1  }
0xb5: {  	[sflag:s29] =	ssyncadd.s32 $0xFFFFFFFF  }
0xb6: {  	_ =	strace $0x90000048  }
0xb7: {  	_ =	sfence  }
0xb8: {  	s30 =	sld [smem:$0x0];
	_ =	sdelay $0x2  }
0xb9: {  	s31 =	sshll.u32 s1, $0xD;
	s1 =	sshrl.u32 s1, $0x2  }
0xba: {  	s3 =	sand.u32 $0x4000, s31;
	s1 =	sadd.s32 s1, s30  }
0xbb: {  	s0 =	sor.u32 s3, s0;
	s1 =	sshll.u32 s1, $0x11  }
0xbc: {  	s0 =	sor.u32 s1, s0  }
0xbd: {  	s0 =	sadd.s32 $0x8F2B, s0  }
0xbe: {  	[sflag:s0] =	ssyncadd.remote.s32 $0x1  }
0xbf: {  	_ =	sfence.sel $0xFFFF  }
0xc0: {  	[dreg:$0x0] =	wrdreg $0xFFFFFFFF;
	(pc) =	sbr.abs _section_cstart, $3  }
0xc1: {  	[dreg:$0x1] =	wrdreg $0xFFFFFFFF  }
0xc2: {  	_ =	task.clear_ibuf [dreg:s7], $0x2FFFF;
	_ =	strace $0x9FFFFFFF  }
0xc3: {  	(tm) =	ssettm $0x7FFFFFFF  }
tec
execute0_lowered:
.L_overlay_start_1:
0x0: {  	(tag) =	ssettag $0x1  }
0x1: {  	s5 =	rddreg [dreg:$0x0]  }
0x2: {  	s6 =	rddreg [dreg:$0x1]  }
0x3: {  	s2 =	rddreg [dreg:$0x2];
	s3 =	srdreg.scid  }
0x4: {  	s0 =	rddreg [dreg:$0x3];
	s1 =	stileid.u32;
	s15 =	simm.s32 $0x1  }
0x5: {  	s7 =	sand.u32 $0x1, s3;
	s3 =	simm.s32 $0x0;
	s16 =	smul.u32 $0x2800, s1  }
0x6: {  	s4 =	sshll.u32 s1, $0xB;
	s11 =	smul.u32 $0x50000, s1;
	s31 =	sshll.u32 s1, $0x6  }
0x7: {  	s8 =	sshll.u32 s7, $0xA;
	[smem:$0x7FF] =	sst s3;
	s10 =	smul.u32 $0x28000, s7  }
0x8: {  	s7 =	ssub.s32 $0x2, s7;
	s8 =	sor.u32 s8, s4;
	_ =	strace $0x80000047  }
0x9: {  	s4 =	sadd.s32 $0xC000, s6;
	s12 =	sadd.s32 s16, s6;
	s29 =	sshrl.u32 s7, $0x1  }
0xa: {  	s30 =	sshrl.u32 s11, $0x2;
	s11 =	sor.u32 $0x1C02, s31;
	s9 =	sadd.s32 s8, s6  }
0xb: {  	s10 =	sadd.s32 s10, s6;
	s13 =	ssub.s32 s7, s29;
	s5 =	sadd.s32 s5, s8  }
0xc: {  	s14 =	sadd.s32 s30, s2;
	s7 =	sadd.s32 $0x5C000, s12;
	s6 =	sadd.s32 $0x4000, s9  }
0xd: {  	s17 =	sadd.s32 $0x84000, s10;
	s8 =	smax.u32 s13, $0x1;
	s9 =	simm.s32 $0x2  }
0xe: {  	s10 =	simm.s32 $0x2000;
	s12 =	sshrl.u32 s14, $0x3;
	s13 =	simm.s32 $0x50  }
0xf: {  	s14 =	simm.s32 $0x4000;
	s16 =	sadd.s32 s16, s17;
	s17 =	simm.s32 $0x0  }
.LBB2_1:
0x10: {  	[tilespmem:s3], [sflag:$0x2] =	stream.linear.gather [hbm4b:s5+s3], $0x1F80, $0x38;
	[tilespmem:$0x1A800] =	vst v63  }
0x11: {  	_ =	swait.ge [sflag:s9], $0x1F80  }
0x12: {  	[sflag:s9] =	ssyncset.done $0x0  }
0x13: {  	[sflag:s9] =	ssyncadd.s32 $0xFFFFE080  }
0x14: {  	[tilespmem:s10], [sflag:$0x2] =	stream.linear.gather [hbm4b:s6+s3], $0x1F80, $0x38;
	[tilespmem:$0x1A800] =	vst v63  }
0x15: {  	_ =	swait.ge [sflag:s9], $0x1F80  }
0x16: {  	[sflag:s9] =	ssyncset.done $0x0  }
0x17: {  	[sflag:s9] =	ssyncadd.s32 $0xFFFFE080  }
0x18: {  	[spmem:s12], [sflag:s11] =	dma.local [hbm:s7], $0x2800  }
0x19: {  	_ =	swait.ge [sflag:s9], $0x2800  }
0x1a: {  	[sflag:s9] =	ssyncset.done $0x0  }
0x1b: {  	[sflag:s9] =	ssyncadd.s32 $0xFFFFD800  }
0x1c: {  	s18 =	simm.s32 $0x0;
	[bflag:$0x0] =	sbarrier.arrive $0xFFFF  }
0x1d: {  	[tilespmem:s14], [sflag:$0x1] =	stream.indirect.gather [hbm4b:s4+s13], $0x80, s18, s13, $0xb8;
	[tilespmem:$0x1A800] =	vst v63  }
0x1e: {  	_ =	swait.ge [sflag:s15], $0x2800  }
0x1f: {  	[sflag:s15] =	ssyncset.done $0x0  }
0x20: {  	s31 =	simm.s32 $0x2000;
	[sflag:s15] =	ssyncadd.s32 $0xFFFFD800  }
0x21: {  	[spmem:s2] =	stream.indirect.scatter.add.f32 [tilespmem:s14], [sflag:$0x2], $0x80, s31, s13, $0xb8;
	[tilespmem:$0x1A800] =	vst v63  }
0x22: {  	_ =	swait.ge [sflag:s9], $0x2800  }
0x23: {  	s19 =	simm.s32 $0x400;
	s18 =	simm.s32 $0x200;
	[sflag:s9] =	ssyncset.done $0x0  }
.LBB2_2:
0x24: {  	s20 =	sshra.s32 s18, $0x2  }
0x25: {  	[sflag:s9] =	ssyncadd.s32 $0xFFFFD800;
	s18 =	smov.u32 s19;
	s21 =	sadd.s32 $0x200, s19  }
0x26: {  	[tilespmem:s14], [sflag:$0x1] =	stream.indirect.gather [hbm4b:s4+s13], $0x80, s20, s13, $0xb8;
	[tilespmem:$0x1A800] =	vst v63  }
0x27: {  	p0 =	sne.s32 s19, $0x7C00;
	_ =	swait.ge [sflag:s15], $0x2800  }
.Ltmp0:
0x28: {  	[sflag:s15] =	ssyncset.done $0x0;
	(pc) =	sbr.rel @p0 .LBB2_2-.Ltmp0, $4  }
0x29: {  	s19 =	sadd.s32 $0x2000, s20;
	[sflag:s15] =	ssyncadd.s32 $0xFFFFD800  }
0x2a: {  	[spmem:s2] =	stream.indirect.scatter.add.f32 [tilespmem:s14], [sflag:$0x2], $0x80, s19, s13, $0xb8;
	[tilespmem:$0x1A800] =	vst v63  }
0x2b: {  	_ =	swait.ge [sflag:s9], $0x2800  }
0x2c: {  	s19 =	smov.u32 s21;
	[sflag:s9] =	ssyncset.done $0x0  }
0x2d: {  	s18 =	sshra.s32 s18, $0x2;
	[sflag:s9] =	ssyncadd.s32 $0xFFFFD800  }
0x2e: {  	[tilespmem:s14], [sflag:$0x1] =	stream.indirect.gather [hbm4b:s4+s13], $0x80, s18, s13, $0xb8;
	[tilespmem:$0x1A800] =	vst v63  }
0x2f: {  	_ =	swait.ge [sflag:s15], $0x2800  }
0x30: {  	[sflag:s15] =	ssyncset.done $0x0  }
0x31: {  	s18 =	sadd.s32 $0x2000, s18;
	[sflag:s15] =	ssyncadd.s32 $0xFFFFD800  }
0x32: {  	[spmem:s2] =	stream.indirect.scatter.add.f32 [tilespmem:s14], [sflag:$0x2], $0x80, s18, s13, $0xb8;
	[tilespmem:$0x1A800] =	vst v63  }
0x33: {  	_ =	swait.ge [sflag:s9], $0x2800  }
0x34: {  	s17 =	sadd.s32 $0x1, s17;
	[sflag:s9] =	ssyncset.done $0x0  }
0x35: {  	p0 =	sne.s32 s17, s8;
	[sflag:s9] =	ssyncadd.s32 $0xFFFFD800  }
.Ltmp1:
0x36: {  	[bflag:$0x0] =	sbarrier.arrive $0xFFFF;
	(pc) =	sbr.rel @p0 .LBB2_1-.Ltmp1, $4  }
0x37: {  	[hbm:s16], [sflag:s11] =	dma.local [spmem:s12], $0x2800  }
0x38: {  	_ =	swait.ge [sflag:s9], $0x2800  }
0x39: {  	[sflag:s9] =	ssyncset.done $0x0  }
0x3a: {  	[sflag:s9] =	ssyncadd.s32 $0xFFFFD800  }
0x3b: {  	_ =	sfence.sel $0x180000  }
0x3c: {  	[bflag:$0x0] =	sbarrier.arrive $0xFFFF  }
0x3d: {  	p0 =	sne.s32 s1, $0x0;
	_ =	strace $0x90000047  }
0x3e: {  	s0 =	sadd.s32 @!p0 $0x100000, s0;
	[bflag:$0x2] =	sbarrier.arrive $0xFFFF  }
0x3f: {  	[sflag:s0] =	ssyncadd.tile.s32 @!p0 $0x1;
	_ =	shalt  }
.Lfunc_end2:
_tile_overlayer_lowered:
.L_overlay_start_2:
0x40: {  	(tag) =	ssettag $0x2  }
0x41: {  	s0 =	rddreg [dreg:$0x0];
	s2 =	stileid.u32  }
0x42: {  	s1 =	rddreg [dreg:$0x1];
	p0 =	sne.s32 s2, $0x0  }
0x43: {  	s3 =	rddreg [dreg:$0x2];
	[bflag:$0x3] =	sbarrier.arrive $0xFFFF;
	s2 =	simm.s32 @!p0 $0x1C02  }
0x44: {  	[timem:s3], [sflag:s2] =	dma.local @!p0 [hbm:s0], s1  }
0x45: {  	s0 =	simm.s32 @!p0 $0x2  }
0x46: {  	_ =	swait.ge @!p0 [sflag:s0], s1  }
0x47: {  	s1 =	ssub.s32 @!p0 $0x0, s1;
	[sflag:s0] =	ssyncset.done @!p0 $0x0  }
0x48: {  	[sflag:s0] =	ssyncadd.s32 @!p0 s1  }
0x49: {  	[bflag:$0x3] =	sbarrier.arrive $0xFFFF  }
0x4a: {  	_ =	shalt  }

// kernel: kernel.20.cloned.1.call-start
scs
__scs_entry_jumppad:
0x0: {  	(pc) =	sbr.rel $0x88, $3  }
0x1: {  	(tag) =	ssettag $0x0;
	lr =	simm.s32 $0x1  }
0x2: {  	[smem:$0x3F97] =	sst lr;
	_ =	strace $0xD0000000  }
0x3: {  	_ = 	snop  }
0x4: {  	_ = 	snop  }
0x5: {  	_ = 	snop  }
0x6: {  	_ = 	snop  }
0x7: {  	_ = 	snop  }
__scs_overlays_trampoline_lowered:
0x8: {  	[smem:$0x3FA6] =	sst s0  }
0x9: {  	[smem:$0x3FA7] =	sst s1  }
0xa: {  	[smem:$0x3FA8] =	sst s2  }
0xb: {  	[smem:$0x3FA9] =	sst s3  }
0xc: {  	[smem:$0x3FAA] =	sst s4  }
0xd: {  	[smem:$0x3FAB] =	sst s5  }
0xe: {  	[smem:$0x3FAC] =	sst s6  }
0xf: {  	[smem:$0x3FAD] =	sst s7  }
0x10: {  	[smem:$0x3FAE] =	sst s8  }
0x11: {  	[smem:$0x3FAF] =	sst s9;
	s0 =	simm.s32 @!p0 $0x0  }
0x12: {  	s1 =	sld [smem:$0x3F95];
	s0 =	simm.s32 @p0 $0x1  }
0x13: {  	[smem:$0x3FB0] =	sst s0;
	s0 =	simm.s32 @!p1 $0x0  }
0x14: {  	s2 =	sld [smem:$0x3F94];
	s0 =	simm.s32 @p1 $0x1  }
0x15: {  	[smem:$0x3FB1] =	sst s0;
	s0 =	simm.s32 @!p2 $0x0  }
0x16: {  	s3 =	sld [smem:$0x3FDB];
	s0 =	simm.s32 @p2 $0x1  }
0x17: {  	s4 =	simm.s32 $0x1BF5;
	[smem:$0x3FB3] =	sst s0  }
0x18: {  	s0 =	sld [smem:$0x3F96];
	_ =	swait.ge [sflag:s4], $0x0  }
0x19: {  	s7 =	sld [smem:$0x3F97]  }
0x1a: {  	s8 =	sadd.s32 $0xFFFFE003, lr  }
0x1b: {  	s9 =	sadd.s32 $0xFFFFFEF7, lr;
	s5 =	simm.s32 $0xFFFFFFFF;
	p2 =	slt.u32 s8, $0xFFFFF086  }
0x1c: {  	p1 =	slt.u32 s9, $0xF7A;
	s5 =	simm.s32 @!p2 $0x0  }
0x1d: {  	s5 =	simm.s32 @p1 $0x1;
	p0 =	seq.s32 s7, s2  }
0x1e: {  	s7 =	smul.u32 @!p0 $0xF7A, s2;
	p2 =	seq.s32 @!p0 s5, $0x0  }
0x1f: {  	s9 =	smul.u32 $0xF7A, s1;
	s8 =	simm.s32 @!p0 $0x1BF5;
	p2 =	por !p2, p0  }
0x20: {  	[sflag:s8] =	ssyncset.s32 @!p0 $0xFFFFF086;
	s6 =	sadd.s32 @!p0 s3, s7;
	s7 =	simm.s32 @!p0 $0x108  }
0x21: {  	s3 =	sadd.s32 s3, s9;
	s6 =	sadd.s32 @!p0 $0x88, s6;
	s7 =	simm.s32 @p2 $0x1082  }
0x22: {  	[simem:s7], [sflag:s8] =	dma.local @!p0 [hbm:s6], $0xF7A  }
0x23: {  	s9 =	sor.u32 $0xD0000000, s2;
	s6 =	simm.s32 $0x108;
	_ =	swait.ge @!p0 [sflag:s8], $0x0  }
0x24: {  	s3 =	sadd.s32 $0x88, s3;
	s6 =	simm.s32 @!p1 $0x1082;
	[sflag:s4] =	ssyncset.s32 $0xFFFFF086  }
0x25: {  	[simem:s6], [sflag:s4] =	dma.local [hbm:s3], $0xF7A  }
0x26: {  	[smem:$0x3F97] =	sst s1;
	(tag) =	ssettag s2;
	_ =	strace s9  }
0x27: {  	s1 =	sld [smem:$0x3FA7]  }
0x28: {  	s2 =	sld [smem:$0x3FA8]  }
0x29: {  	s4 =	sld [smem:$0x3FAA]  }
0x2a: {  	p0 =	seq.s32 s5, $0x0;
	s5 =	sld [smem:$0x3FAB]  }
0x2b: {  	s6 =	sld [smem:$0x3FAC]  }
0x2c: {  	s7 =	sld [smem:$0x3FAD]  }
0x2d: {  	s3 =	simm.s32 $0x108;
	s8 =	sld [smem:$0x3FAE]  }
0x2e: {  	s3 =	simm.s32 @!p0 $0x1082;
	s9 =	sld [smem:$0x3FAF]  }
0x2f: {  	lr =	sadd.s32 s0, s3;
	s0 =	sld [smem:$0x3FA6]  }
0x30: {  	s3 =	sld [smem:$0x3FA9]  }
0x31: {  	[smem:$0x3FB2] =	sst s10  }
0x32: {  	s10 =	sld [smem:$0x3FB0];
	_ =	sdelay $0x3  }
0x33: {  	p0 =	seq.s32 s10, $0x1;
	s10 =	sld [smem:$0x3FB2];
	_ =	sdelay $0x3  }
0x34: {  	[smem:$0x3FB2] =	sst s10  }
0x35: {  	s10 =	sld [smem:$0x3FB1];
	_ =	sdelay $0x3  }
0x36: {  	p1 =	seq.s32 s10, $0x1;
	s10 =	sld [smem:$0x3FB2];
	_ =	sdelay $0x3  }
0x37: {  	[smem:$0x3FB2] =	sst s10  }
0x38: {  	s10 =	sld [smem:$0x3FB3]  }
0x39: {  	_ = 	snop;
	(pc) =	sbr.ind lr, $3  }
0x3a: {  	_ = 	snop  }
0x3b: {  	_ = 	snop  }
0x3c: {  	p2 =	seq.s32 s10, $0x1;
	s10 =	sld [smem:$0x3FB2]  }
0x3d: {  	_ =	shalt  }
0x3e: {  	_ =	shalt  }
0x3f: {  	_ =	shalt  }
0x40: {  	_ =	shalt  }
0x41: {  	_ =	shalt  }
0x42: {  	_ =	shalt  }
0x43: {  	_ =	shalt  }
0x44: {  	_ =	shalt  }
0x45: {  	_ =	shalt  }
0x46: {  	_ =	shalt  }
0x47: {  	_ =	shalt  }
0x48: {  	_ =	shalt  }
0x49: {  	_ =	shalt  }
0x4a: {  	_ =	shalt  }
0x4b: {  	_ =	shalt  }
0x4c: {  	_ =	shalt  }
0x4d: {  	_ =	shalt  }
0x4e: {  	_ =	shalt  }
0x4f: {  	_ =	shalt  }
0x50: {  	_ =	shalt  }
0x51: {  	_ =	shalt  }
0x52: {  	_ =	shalt  }
0x53: {  	_ =	shalt  }
0x54: {  	_ =	shalt  }
0x55: {  	_ =	shalt  }
0x56: {  	_ =	shalt  }
0x57: {  	_ =	shalt  }
0x58: {  	_ =	shalt  }
0x59: {  	_ =	shalt  }
0x5a: {  	_ =	shalt  }
0x5b: {  	_ =	shalt  }
0x5c: {  	_ =	shalt  }
0x5d: {  	_ =	shalt  }
0x5e: {  	_ =	shalt  }
0x5f: {  	_ =	shalt  }
0x60: {  	_ =	shalt  }
0x61: {  	_ =	shalt  }
0x62: {  	_ =	shalt  }
0x63: {  	_ =	shalt  }
0x64: {  	_ =	shalt  }
0x65: {  	_ =	shalt  }
0x66: {  	_ =	shalt  }
0x67: {  	_ =	shalt  }
0x68: {  	_ =	shalt  }
0x69: {  	_ =	shalt  }
0x6a: {  	_ =	shalt  }
0x6b: {  	_ =	shalt  }
0x6c: {  	_ =	shalt  }
0x6d: {  	_ =	shalt  }
0x6e: {  	_ =	shalt  }
0x6f: {  	_ =	shalt  }
0x70: {  	_ =	shalt  }
0x71: {  	_ =	shalt  }
0x72: {  	_ =	shalt  }
0x73: {  	_ =	shalt  }
0x74: {  	_ =	shalt  }
0x75: {  	_ =	shalt  }
0x76: {  	_ =	shalt  }
0x77: {  	_ =	shalt  }
0x78: {  	_ =	shalt  }
0x79: {  	_ =	shalt  }
0x7a: {  	_ =	shalt  }
0x7b: {  	_ =	shalt  }
0x7c: {  	_ =	shalt  }
0x7d: {  	_ =	shalt  }
0x7e: {  	_ =	shalt  }
0x7f: {  	_ =	shalt  }
0x80: {  	_ =	shalt  }
0x81: {  	_ =	shalt  }
0x82: {  	_ =	shalt  }
0x83: {  	_ =	shalt  }
0x84: {  	_ =	shalt  }
0x85: {  	_ =	shalt  }
0x86: {  	_ =	shalt  }
0x87: {  	_ =	shalt  }
.Lfunc_end0:
.L_simem_size_0:
called_computation.3_lowered:
.L_overlay_start_0:
0x88: {  	s2 =	sld [smem:$0x3FD9]  }
0x89: {  	s3 =	sld [smem:$0x3FFE];
	_ =	sdelay $0x1  }
0x8a: {  	s1 =	srdreg.scid  }
0x8b: {  	s0 =	sand.u32 $0x1, s1  }
0x8c: {  	s17 =	sshll.u32 s0, $0xA;
	s2 =	sadd.s32 s3, s2  }
0x8d: {  	s2 =	sadd.s32 s2, s17  }
0x8e: {  	[smem:$0x3FBE] =	sst s2  }
0x8f: {  	_ = 	snop  }
0x90: {  	s2 =	sld [smem:$0x3FD0];
	(tm) =	ssettm $0x1  }
0x91: {  	s18 =	sld [smem:$0x3FFB];
	_ =	sdelay $0x3  }
0x92: {  	_ =	strace s18  }
0x93: {  	s3 =	sld [smem:$0x3FFC];
	_ =	sdelay $0x3  }
0x94: {  	_ =	strace s3  }
0x95: {  	s3 =	sld [smem:$0x3FFD];
	_ =	sdelay $0x3  }
0x96: {  	_ =	strace s3  }
0x97: {  	_ =	strace $0x8FFFFFFF  }
0x98: {  	s19 =	sld [smem:$0x3FDB];
	_ =	sdelay $0x1  }
0x99: {  	s4 =	simm.s32 $_scs_section_size  }
0x9a: {  	s5 =	simm.s32 $_size__tile_overlayer_lowered;
	s6 =	simm.s32 $_tile_overlayer_lowered  }
0x9b: {  	s22 =	simm.s32 $0x1BFF;
	s21 =	sshll.u32 s6, $0x1;
	s3 =	sadd.s32 s4, s19  }
0x9c: {  	s7 =	simm.s32 $0x0;
	s20 =	sshll.u32 s5, $0x1;
	s5 =	sadd.s32 s21, s3  }
0x9d: {  	[timem:s7], [sflag:s22] =	dma.local [hbm:s5], s20  }
0x9e: {  	_ =	swait.ge [sflag:s22], s20  }
0x9f: {  	s4 =	ssub.s32 $0x0, s20;
	[sflag:s22] =	ssyncset.done $0x0  }
0xa0: {  	[sflag:s22] =	ssyncadd.s32 s4;
	_ =	sdelay $0x1  }
0xa1: {  	s23 =	simm.s32 $0x1B8B  }
0xa2: {  	_ =	swait.ge [sflag:s23], $0x1  }
0xa3: {  	[sflag:s23] =	ssyncset.done $0x0  }
0xa4: {  	s25 =	simm.s32 $0x1B8E;
	s24 =	sld [smem:$0x3FFE];
	[sflag:s23] =	ssyncadd.s32 $0xFFFFFFFF  }
0xa5: {  	s26 =	simm.s32 $execute0_lowered;
	[smem:$0x3FD2] =	sst s25  }
0xa6: {  	s5 =	sshll.u32 s26, $0x1;
	_ =	strace $0x8000004F;
	[dreg:$0x1] =	wrdreg $0xFFFFFFFF  }
0xa7: {  	s28 =	simm.s32 $_size_execute0_lowered;
	s3 =	sadd.s32 s3, s5;
	[dreg:$0x0] =	wrdreg $0x0  }
0xa8: {  	s5 =	sshll.u32 s28, $0x1;
	[dreg:$0x2] =	wrdreg s3  }
0xa9: {  	[dreg:$0x3] =	wrdreg s5  }
0xaa: {  	[dreg:$0x4] =	wrdreg $0xC0  }
0xab: {  	_ =	task [dreg:s7], $0x5FFFF  }
0xac: {  	[dreg:$0x1] =	wrdreg $0xFFFFFFFF  }
0xad: {  	[dreg:$0x0] =	wrdreg $0x60  }
0xae: {  	[dreg:$0x2] =	wrdreg s2  }
0xaf: {  	[dreg:$0x3] =	wrdreg s24  }
0xb0: {  	[dreg:$0x4] =	wrdreg $0x68000  }
0xb1: {  	[dreg:$0x5] =	wrdreg $0x9  }
0xb2: {  	_ =	task.clear_ibuf [dreg:s7], $0x6FFFF;
	_ =	strace $0x9000004F  }
0xb3: {  	s29 =	simm.s32 $0x9;
	_ =	strace $0x80000051  }
0xb4: {  	_ =	swait.ge [sflag:s29], $0x1  }
0xb5: {  	[sflag:s29] =	ssyncadd.s32 $0xFFFFFFFF  }
0xb6: {  	_ =	strace $0x90000051  }
0xb7: {  	_ =	sfence  }
0xb8: {  	s30 =	sld [smem:$0x0];
	_ =	sdelay $0x2  }
0xb9: {  	s31 =	sshll.u32 s1, $0xD;
	s1 =	sshrl.u32 s1, $0x2  }
0xba: {  	s3 =	sand.u32 $0x4000, s31;
	s1 =	sadd.s32 s1, s30  }
0xbb: {  	s0 =	sor.u32 s3, s0;
	s1 =	sshll.u32 s1, $0x11  }
0xbc: {  	s0 =	sor.u32 s1, s0  }
0xbd: {  	s0 =	sadd.s32 $0x8F2B, s0  }
0xbe: {  	[sflag:s0] =	ssyncadd.remote.s32 $0x1  }
0xbf: {  	_ =	sfence.sel $0xFFFF  }
0xc0: {  	[dreg:$0x0] =	wrdreg $0xFFFFFFFF;
	(pc) =	sbr.abs _section_cstart, $3  }
0xc1: {  	[dreg:$0x1] =	wrdreg $0xFFFFFFFF  }
0xc2: {  	_ =	task.clear_ibuf [dreg:s7], $0x2FFFF;
	_ =	strace $0x9FFFFFFF  }
0xc3: {  	(tm) =	ssettm $0x7FFFFFFF  }
tec
execute0_lowered:
.L_overlay_start_1:
0x0: {  	(tag) =	ssettag $0x1  }
0x1: {  	s5 =	rddreg [dreg:$0x0]  }
0x2: {  	s6 =	rddreg [dreg:$0x1]  }
0x3: {  	s2 =	rddreg [dreg:$0x2];
	s3 =	srdreg.scid  }
0x4: {  	s0 =	rddreg [dreg:$0x3];
	s1 =	stileid.u32;
	s15 =	simm.s32 $0x1  }
0x5: {  	s7 =	sand.u32 $0x1, s3;
	s3 =	simm.s32 $0x0;
	s16 =	smul.u32 $0x2800, s1  }
0x6: {  	s4 =	sshll.u32 s1, $0xB;
	s11 =	smul.u32 $0x50000, s1;
	s31 =	sshll.u32 s1, $0x6  }
0x7: {  	s8 =	sshll.u32 s7, $0xA;
	[smem:$0x7FF] =	sst s3;
	s10 =	smul.u32 $0x28000, s7  }
0x8: {  	s7 =	ssub.s32 $0x2, s7;
	s8 =	sor.u32 s8, s4;
	_ =	strace $0x80000050  }
0x9: {  	s4 =	sadd.s32 $0xC000, s6;
	s12 =	sadd.s32 s16, s6;
	s29 =	sshrl.u32 s7, $0x1  }
0xa: {  	s30 =	sshrl.u32 s11, $0x2;
	s11 =	sor.u32 $0x1C02, s31;
	s9 =	sadd.s32 s8, s6  }
0xb: {  	s10 =	sadd.s32 s10, s6;
	s13 =	ssub.s32 s7, s29;
	s5 =	sadd.s32 s5, s8  }
0xc: {  	s14 =	sadd.s32 s30, s2;
	s7 =	sadd.s32 $0x5C000, s12;
	s6 =	sadd.s32 $0x4000, s9  }
0xd: {  	s17 =	sadd.s32 $0x84000, s10;
	s8 =	smax.u32 s13, $0x1;
	s9 =	simm.s32 $0x2  }
0xe: {  	s10 =	simm.s32 $0x2000;
	s12 =	sshrl.u32 s14, $0x3;
	s13 =	simm.s32 $0x50  }
0xf: {  	s14 =	simm.s32 $0x4000;
	s16 =	sadd.s32 s16, s17;
	s17 =	simm.s32 $0x0  }
.LBB2_1:
0x10: {  	[tilespmem:s3], [sflag:$0x2] =	stream.linear.gather [hbm4b:s5+s3], $0x1F80, $0x38;
	[tilespmem:$0x1A800] =	vst v63  }
0x11: {  	_ =	swait.ge [sflag:s9], $0x1F80  }
0x12: {  	[sflag:s9] =	ssyncset.done $0x0  }
0x13: {  	[sflag:s9] =	ssyncadd.s32 $0xFFFFE080  }
0x14: {  	[tilespmem:s10], [sflag:$0x2] =	stream.linear.gather [hbm4b:s6+s3], $0x1F80, $0x38;
	[tilespmem:$0x1A800] =	vst v63  }
0x15: {  	_ =	swait.ge [sflag:s9], $0x1F80  }
0x16: {  	[sflag:s9] =	ssyncset.done $0x0  }
0x17: {  	[sflag:s9] =	ssyncadd.s32 $0xFFFFE080  }
0x18: {  	[spmem:s12], [sflag:s11] =	dma.local [hbm:s7], $0x2800  }
0x19: {  	_ =	swait.ge [sflag:s9], $0x2800  }
0x1a: {  	[sflag:s9] =	ssyncset.done $0x0  }
0x1b: {  	[sflag:s9] =	ssyncadd.s32 $0xFFFFD800  }
0x1c: {  	s18 =	simm.s32 $0x0;
	[bflag:$0x0] =	sbarrier.arrive $0xFFFF  }
0x1d: {  	[tilespmem:s14], [sflag:$0x1] =	stream.indirect.gather [hbm4b:s4+s13], $0x80, s18, s13, $0xb8;
	[tilespmem:$0x1A800] =	vst v63  }
0x1e: {  	_ =	swait.ge [sflag:s15], $0x2800  }
0x1f: {  	[sflag:s15] =	ssyncset.done $0x0  }
0x20: {  	s31 =	simm.s32 $0x2000;
	[sflag:s15] =	ssyncadd.s32 $0xFFFFD800  }
0x21: {  	[spmem:s2] =	stream.indirect.scatter.add.f32 [tilespmem:s14], [sflag:$0x2], $0x80, s31, s13, $0xb8;
	[tilespmem:$0x1A800] =	vst v63  }
0x22: {  	_ =	swait.ge [sflag:s9], $0x2800  }
0x23: {  	s19 =	simm.s32 $0x400;
	s18 =	simm.s32 $0x200;
	[sflag:s9] =	ssyncset.done $0x0  }
.LBB2_2:
0x24: {  	s20 =	sshra.s32 s18, $0x2  }
0x25: {  	[sflag:s9] =	ssyncadd.s32 $0xFFFFD800;
	s18 =	smov.u32 s19;
	s21 =	sadd.s32 $0x200, s19  }
0x26: {  	[tilespmem:s14], [sflag:$0x1] =	stream.indirect.gather [hbm4b:s4+s13], $0x80, s20, s13, $0xb8;
	[tilespmem:$0x1A800] =	vst v63  }
0x27: {  	p0 =	sne.s32 s19, $0x7C00;
	_ =	swait.ge [sflag:s15], $0x2800  }
.Ltmp0:
0x28: {  	[sflag:s15] =	ssyncset.done $0x0;
	(pc) =	sbr.rel @p0 .LBB2_2-.Ltmp0, $4  }
0x29: {  	s19 =	sadd.s32 $0x2000, s20;
	[sflag:s15] =	ssyncadd.s32 $0xFFFFD800  }
0x2a: {  	[spmem:s2] =	stream.indirect.scatter.add.f32 [tilespmem:s14], [sflag:$0x2], $0x80, s19, s13, $0xb8;
	[tilespmem:$0x1A800] =	vst v63  }
0x2b: {  	_ =	swait.ge [sflag:s9], $0x2800  }
0x2c: {  	s19 =	smov.u32 s21;
	[sflag:s9] =	ssyncset.done $0x0  }
0x2d: {  	s18 =	sshra.s32 s18, $0x2;
	[sflag:s9] =	ssyncadd.s32 $0xFFFFD800  }
0x2e: {  	[tilespmem:s14], [sflag:$0x1] =	stream.indirect.gather [hbm4b:s4+s13], $0x80, s18, s13, $0xb8;
	[tilespmem:$0x1A800] =	vst v63  }
0x2f: {  	_ =	swait.ge [sflag:s15], $0x2800  }
0x30: {  	[sflag:s15] =	ssyncset.done $0x0  }
0x31: {  	s18 =	sadd.s32 $0x2000, s18;
	[sflag:s15] =	ssyncadd.s32 $0xFFFFD800  }
0x32: {  	[spmem:s2] =	stream.indirect.scatter.add.f32 [tilespmem:s14], [sflag:$0x2], $0x80, s18, s13, $0xb8;
	[tilespmem:$0x1A800] =	vst v63  }
0x33: {  	_ =	swait.ge [sflag:s9], $0x2800  }
0x34: {  	s17 =	sadd.s32 $0x1, s17;
	[sflag:s9] =	ssyncset.done $0x0  }
0x35: {  	p0 =	sne.s32 s17, s8;
	[sflag:s9] =	ssyncadd.s32 $0xFFFFD800  }
.Ltmp1:
0x36: {  	[bflag:$0x0] =	sbarrier.arrive $0xFFFF;
	(pc) =	sbr.rel @p0 .LBB2_1-.Ltmp1, $4  }
0x37: {  	[hbm:s16], [sflag:s11] =	dma.local [spmem:s12], $0x2800  }
0x38: {  	_ =	swait.ge [sflag:s9], $0x2800  }
0x39: {  	[sflag:s9] =	ssyncset.done $0x0  }
0x3a: {  	[sflag:s9] =	ssyncadd.s32 $0xFFFFD800  }
0x3b: {  	_ =	sfence.sel $0x180000  }
0x3c: {  	[bflag:$0x0] =	sbarrier.arrive $0xFFFF  }
0x3d: {  	p0 =	sne.s32 s1, $0x0;
	_ =	strace $0x90000050  }
0x3e: {  	s0 =	sadd.s32 @!p0 $0x100000, s0;
	[bflag:$0x2] =	sbarrier.arrive $0xFFFF  }
0x3f: {  	[sflag:s0] =	ssyncadd.tile.s32 @!p0 $0x1;
	_ =	shalt  }
.Lfunc_end2:
_tile_overlayer_lowered:
.L_overlay_start_2:
0x40: {  	(tag) =	ssettag $0x2  }
0x41: {  	s0 =	rddreg [dreg:$0x0];
	s2 =	stileid.u32  }
0x42: {  	s1 =	rddreg [dreg:$0x1];
	p0 =	sne.s32 s2, $0x0  }
0x43: {  	s3 =	rddreg [dreg:$0x2];
	[bflag:$0x3] =	sbarrier.arrive $0xFFFF;
	s2 =	simm.s32 @!p0 $0x1C02  }
0x44: {  	[timem:s3], [sflag:s2] =	dma.local @!p0 [hbm:s0], s1  }
0x45: {  	s0 =	simm.s32 @!p0 $0x2  }
0x46: {  	_ =	swait.ge @!p0 [sflag:s0], s1  }
0x47: {  	s1 =	ssub.s32 @!p0 $0x0, s1;
	[sflag:s0] =	ssyncset.done @!p0 $0x0  }
0x48: {  	[sflag:s0] =	ssyncadd.s32 @!p0 s1  }
0x49: {  	[bflag:$0x3] =	sbarrier.arrive $0xFFFF  }
0x4a: {  	_ =	shalt  }

// kernel: kernel.23.cloned.1.call-start
scs
__scs_entry_jumppad:
0x0: {  	(pc) =	sbr.rel $0x88, $3  }
0x1: {  	(tag) =	ssettag $0x0;
	lr =	simm.s32 $0x1  }
0x2: {  	[smem:$0x3F97] =	sst lr;
	_ =	strace $0xD0000000  }
0x3: {  	_ = 	snop  }
0x4: {  	_ = 	snop  }
0x5: {  	_ = 	snop  }
0x6: {  	_ = 	snop  }
0x7: {  	_ = 	snop  }
__scs_overlays_trampoline_lowered:
0x8: {  	[smem:$0x3FA6] =	sst s0  }
0x9: {  	[smem:$0x3FA7] =	sst s1  }
0xa: {  	[smem:$0x3FA8] =	sst s2  }
0xb: {  	[smem:$0x3FA9] =	sst s3  }
0xc: {  	[smem:$0x3FAA] =	sst s4  }
0xd: {  	[smem:$0x3FAB] =	sst s5  }
0xe: {  	[smem:$0x3FAC] =	sst s6  }
0xf: {  	[smem:$0x3FAD] =	sst s7  }
0x10: {  	[smem:$0x3FAE] =	sst s8  }
0x11: {  	[smem:$0x3FAF] =	sst s9;
	s0 =	simm.s32 @!p0 $0x0  }
0x12: {  	s1 =	sld [smem:$0x3F95];
	s0 =	simm.s32 @p0 $0x1  }
0x13: {  	[smem:$0x3FB0] =	sst s0;
	s0 =	simm.s32 @!p1 $0x0  }
0x14: {  	s2 =	sld [smem:$0x3F94];
	s0 =	simm.s32 @p1 $0x1  }
0x15: {  	[smem:$0x3FB1] =	sst s0;
	s0 =	simm.s32 @!p2 $0x0  }
0x16: {  	s3 =	sld [smem:$0x3FDB];
	s0 =	simm.s32 @p2 $0x1  }
0x17: {  	s4 =	simm.s32 $0x1BF5;
	[smem:$0x3FB3] =	sst s0  }
0x18: {  	s0 =	sld [smem:$0x3F96];
	_ =	swait.ge [sflag:s4], $0x0  }
0x19: {  	s7 =	sld [smem:$0x3F97]  }
0x1a: {  	s8 =	sadd.s32 $0xFFFFE003, lr  }
0x1b: {  	s9 =	sadd.s32 $0xFFFFFEF7, lr;
	s5 =	simm.s32 $0xFFFFFFFF;
	p2 =	slt.u32 s8, $0xFFFFF086  }
0x1c: {  	p1 =	slt.u32 s9, $0xF7A;
	s5 =	simm.s32 @!p2 $0x0  }
0x1d: {  	s5 =	simm.s32 @p1 $0x1;
	p0 =	seq.s32 s7, s2  }
0x1e: {  	s7 =	smul.u32 @!p0 $0xF7A, s2;
	p2 =	seq.s32 @!p0 s5, $0x0  }
0x1f: {  	s9 =	smul.u32 $0xF7A, s1;
	s8 =	simm.s32 @!p0 $0x1BF5;
	p2 =	por !p2, p0  }
0x20: {  	[sflag:s8] =	ssyncset.s32 @!p0 $0xFFFFF086;
	s6 =	sadd.s32 @!p0 s3, s7;
	s7 =	simm.s32 @!p0 $0x108  }
0x21: {  	s3 =	sadd.s32 s3, s9;
	s6 =	sadd.s32 @!p0 $0x88, s6;
	s7 =	simm.s32 @p2 $0x1082  }
0x22: {  	[simem:s7], [sflag:s8] =	dma.local @!p0 [hbm:s6], $0xF7A  }
0x23: {  	s9 =	sor.u32 $0xD0000000, s2;
	s6 =	simm.s32 $0x108;
	_ =	swait.ge @!p0 [sflag:s8], $0x0  }
0x24: {  	s3 =	sadd.s32 $0x88, s3;
	s6 =	simm.s32 @!p1 $0x1082;
	[sflag:s4] =	ssyncset.s32 $0xFFFFF086  }
0x25: {  	[simem:s6], [sflag:s4] =	dma.local [hbm:s3], $0xF7A  }
0x26: {  	[smem:$0x3F97] =	sst s1;
	(tag) =	ssettag s2;
	_ =	strace s9  }
0x27: {  	s1 =	sld [smem:$0x3FA7]  }
0x28: {  	s2 =	sld [smem:$0x3FA8]  }
0x29: {  	s4 =	sld [smem:$0x3FAA]  }
0x2a: {  	p0 =	seq.s32 s5, $0x0;
	s5 =	sld [smem:$0x3FAB]  }
0x2b: {  	s6 =	sld [smem:$0x3FAC]  }
0x2c: {  	s7 =	sld [smem:$0x3FAD]  }
0x2d: {  	s3 =	simm.s32 $0x108;
	s8 =	sld [smem:$0x3FAE]  }
0x2e: {  	s3 =	simm.s32 @!p0 $0x1082;
	s9 =	sld [smem:$0x3FAF]  }
0x2f: {  	lr =	sadd.s32 s0, s3;
	s0 =	sld [smem:$0x3FA6]  }
0x30: {  	s3 =	sld [smem:$0x3FA9]  }
0x31: {  	[smem:$0x3FB2] =	sst s10  }
0x32: {  	s10 =	sld [smem:$0x3FB0];
	_ =	sdelay $0x3  }
0x33: {  	p0 =	seq.s32 s10, $0x1;
	s10 =	sld [smem:$0x3FB2];
	_ =	sdelay $0x3  }
0x34: {  	[smem:$0x3FB2] =	sst s10  }
0x35: {  	s10 =	sld [smem:$0x3FB1];
	_ =	sdelay $0x3  }
0x36: {  	p1 =	seq.s32 s10, $0x1;
	s10 =	sld [smem:$0x3FB2];
	_ =	sdelay $0x3  }
0x37: {  	[smem:$0x3FB2] =	sst s10  }
0x38: {  	s10 =	sld [smem:$0x3FB3]  }
0x39: {  	_ = 	snop;
	(pc) =	sbr.ind lr, $3  }
0x3a: {  	_ = 	snop  }
0x3b: {  	_ = 	snop  }
0x3c: {  	p2 =	seq.s32 s10, $0x1;
	s10 =	sld [smem:$0x3FB2]  }
0x3d: {  	_ =	shalt  }
0x3e: {  	_ =	shalt  }
0x3f: {  	_ =	shalt  }
0x40: {  	_ =	shalt  }
0x41: {  	_ =	shalt  }
0x42: {  	_ =	shalt  }
0x43: {  	_ =	shalt  }
0x44: {  	_ =	shalt  }
0x45: {  	_ =	shalt  }
0x46: {  	_ =	shalt  }
0x47: {  	_ =	shalt  }
0x48: {  	_ =	shalt  }
0x49: {  	_ =	shalt  }
0x4a: {  	_ =	shalt  }
0x4b: {  	_ =	shalt  }
0x4c: {  	_ =	shalt  }
0x4d: {  	_ =	shalt  }
0x4e: {  	_ =	shalt  }
0x4f: {  	_ =	shalt  }
0x50: {  	_ =	shalt  }
0x51: {  	_ =	shalt  }
0x52: {  	_ =	shalt  }
0x53: {  	_ =	shalt  }
0x54: {  	_ =	shalt  }
0x55: {  	_ =	shalt  }
0x56: {  	_ =	shalt  }
0x57: {  	_ =	shalt  }
0x58: {  	_ =	shalt  }
0x59: {  	_ =	shalt  }
0x5a: {  	_ =	shalt  }
0x5b: {  	_ =	shalt  }
0x5c: {  	_ =	shalt  }
0x5d: {  	_ =	shalt  }
0x5e: {  	_ =	shalt  }
0x5f: {  	_ =	shalt  }
0x60: {  	_ =	shalt  }
0x61: {  	_ =	shalt  }
0x62: {  	_ =	shalt  }
0x63: {  	_ =	shalt  }
0x64: {  	_ =	shalt  }
0x65: {  	_ =	shalt  }
0x66: {  	_ =	shalt  }
0x67: {  	_ =	shalt  }
0x68: {  	_ =	shalt  }
0x69: {  	_ =	shalt  }
0x6a: {  	_ =	shalt  }
0x6b: {  	_ =	shalt  }
0x6c: {  	_ =	shalt  }
0x6d: {  	_ =	shalt  }
0x6e: {  	_ =	shalt  }
0x6f: {  	_ =	shalt  }
0x70: {  	_ =	shalt  }
0x71: {  	_ =	shalt  }
0x72: {  	_ =	shalt  }
0x73: {  	_ =	shalt  }
0x74: {  	_ =	shalt  }
0x75: {  	_ =	shalt  }
0x76: {  	_ =	shalt  }
0x77: {  	_ =	shalt  }
0x78: {  	_ =	shalt  }
0x79: {  	_ =	shalt  }
0x7a: {  	_ =	shalt  }
0x7b: {  	_ =	shalt  }
0x7c: {  	_ =	shalt  }
0x7d: {  	_ =	shalt  }
0x7e: {  	_ =	shalt  }
0x7f: {  	_ =	shalt  }
0x80: {  	_ =	shalt  }
0x81: {  	_ =	shalt  }
0x82: {  	_ =	shalt  }
0x83: {  	_ =	shalt  }
0x84: {  	_ =	shalt  }
0x85: {  	_ =	shalt  }
0x86: {  	_ =	shalt  }
0x87: {  	_ =	shalt  }
.Lfunc_end0:
.L_simem_size_0:
called_computation.4_lowered:
.L_overlay_start_0:
0x88: {  	s2 =	sld [smem:$0x3FD9]  }
0x89: {  	s3 =	sld [smem:$0x3FFE];
	_ =	sdelay $0x1  }
0x8a: {  	s1 =	srdreg.scid  }
0x8b: {  	s0 =	sand.u32 $0x1, s1  }
0x8c: {  	s17 =	sshll.u32 s0, $0xA;
	s2 =	sadd.s32 s3, s2  }
0x8d: {  	s2 =	sadd.s32 s2, s17  }
0x8e: {  	[smem:$0x3FBE] =	sst s2  }
0x8f: {  	_ = 	snop  }
0x90: {  	s2 =	sld [smem:$0x3FD0];
	(tm) =	ssettm $0x1  }
0x91: {  	s18 =	sld [smem:$0x3FFB];
	_ =	sdelay $0x3  }
0x92: {  	_ =	strace s18  }
0x93: {  	s3 =	sld [smem:$0x3FFC];
	_ =	sdelay $0x3  }
0x94: {  	_ =	strace s3  }
0x95: {  	s3 =	sld [smem:$0x3FFD];
	_ =	sdelay $0x3  }
0x96: {  	_ =	strace s3  }
0x97: {  	_ =	strace $0x8FFFFFFF  }
0x98: {  	s19 =	sld [smem:$0x3FDB];
	_ =	sdelay $0x1  }
0x99: {  	s4 =	simm.s32 $_scs_section_size  }
0x9a: {  	s5 =	simm.s32 $_size__tile_overlayer_lowered;
	s6 =	simm.s32 $_tile_overlayer_lowered  }
0x9b: {  	s22 =	simm.s32 $0x1BFF;
	s21 =	sshll.u32 s6, $0x1;
	s3 =	sadd.s32 s4, s19  }
0x9c: {  	s7 =	simm.s32 $0x0;
	s20 =	sshll.u32 s5, $0x1;
	s5 =	sadd.s32 s21, s3  }
0x9d: {  	[timem:s7], [sflag:s22] =	dma.local [hbm:s5], s20  }
0x9e: {  	_ =	swait.ge [sflag:s22], s20  }
0x9f: {  	s4 =	ssub.s32 $0x0, s20;
	[sflag:s22] =	ssyncset.done $0x0  }
0xa0: {  	[sflag:s22] =	ssyncadd.s32 s4;
	_ =	sdelay $0x1  }
0xa1: {  	s23 =	simm.s32 $0x1B8B  }
0xa2: {  	_ =	swait.ge [sflag:s23], $0x1  }
0xa3: {  	[sflag:s23] =	ssyncset.done $0x0  }
0xa4: {  	s25 =	simm.s32 $0x1B8E;
	s24 =	sld [smem:$0x3FFE];
	[sflag:s23] =	ssyncadd.s32 $0xFFFFFFFF  }
0xa5: {  	s26 =	simm.s32 $execute0_lowered;
	[smem:$0x3FD2] =	sst s25  }
0xa6: {  	s5 =	sshll.u32 s26, $0x1;
	_ =	strace $0x80000052;
	[dreg:$0x1] =	wrdreg $0xFFFFFFFF  }
0xa7: {  	s28 =	simm.s32 $_size_execute0_lowered;
	s3 =	sadd.s32 s3, s5;
	[dreg:$0x0] =	wrdreg $0x0  }
0xa8: {  	s5 =	sshll.u32 s28, $0x1;
	[dreg:$0x2] =	wrdreg s3  }
0xa9: {  	[dreg:$0x3] =	wrdreg s5  }
0xaa: {  	[dreg:$0x4] =	wrdreg $0xC0  }
0xab: {  	_ =	task [dreg:s7], $0x5FFFF  }
0xac: {  	[dreg:$0x1] =	wrdreg $0xFFFFFFFF  }
0xad: {  	[dreg:$0x0] =	wrdreg $0x60  }
0xae: {  	[dreg:$0x2] =	wrdreg s2  }
0xaf: {  	[dreg:$0x3] =	wrdreg s24  }
0xb0: {  	[dreg:$0x4] =	wrdreg $0x68000  }
0xb1: {  	[dreg:$0x5] =	wrdreg $0x9  }
0xb2: {  	_ =	task.clear_ibuf [dreg:s7], $0x6FFFF;
	_ =	strace $0x90000052  }
0xb3: {  	s29 =	simm.s32 $0x9;
	_ =	strace $0x80000054  }
0xb4: {  	_ =	swait.ge [sflag:s29], $0x1  }
0xb5: {  	[sflag:s29] =	ssyncadd.s32 $0xFFFFFFFF  }
0xb6: {  	_ =	strace $0x90000054  }
0xb7: {  	_ =	sfence  }
0xb8: {  	s30 =	sld [smem:$0x0];
	_ =	sdelay $0x2  }
0xb9: {  	s31 =	sshll.u32 s1, $0xD;
	s1 =	sshrl.u32 s1, $0x2  }
0xba: {  	s3 =	sand.u32 $0x4000, s31;
	s1 =	sadd.s32 s1, s30  }
0xbb: {  	s0 =	sor.u32 s3, s0;
	s1 =	sshll.u32 s1, $0x11  }
0xbc: {  	s0 =	sor.u32 s1, s0  }
0xbd: {  	s0 =	sadd.s32 $0x8F2B, s0  }
0xbe: {  	[sflag:s0] =	ssyncadd.remote.s32 $0x1  }
0xbf: {  	_ =	sfence.sel $0xFFFF  }
0xc0: {  	[dreg:$0x0] =	wrdreg $0xFFFFFFFF;
	(pc) =	sbr.abs _section_cstart, $3  }
0xc1: {  	[dreg:$0x1] =	wrdreg $0xFFFFFFFF  }
0xc2: {  	_ =	task.clear_ibuf [dreg:s7], $0x2FFFF;
	_ =	strace $0x9FFFFFFF  }
0xc3: {  	(tm) =	ssettm $0x7FFFFFFF  }
tec
execute0_lowered:
.L_overlay_start_1:
0x0: {  	(tag) =	ssettag $0x1  }
0x1: {  	s5 =	rddreg [dreg:$0x0]  }
0x2: {  	s6 =	rddreg [dreg:$0x1]  }
0x3: {  	s2 =	rddreg [dreg:$0x2];
	s3 =	srdreg.scid  }
0x4: {  	s0 =	rddreg [dreg:$0x3];
	s1 =	stileid.u32;
	s15 =	simm.s32 $0x1  }
0x5: {  	s7 =	sand.u32 $0x1, s3;
	s3 =	simm.s32 $0x0;
	s16 =	smul.u32 $0x2800, s1  }
0x6: {  	s4 =	sshll.u32 s1, $0xB;
	s11 =	smul.u32 $0x50000, s1;
	s31 =	sshll.u32 s1, $0x6  }
0x7: {  	s8 =	sshll.u32 s7, $0xA;
	[smem:$0x7FF] =	sst s3;
	s10 =	smul.u32 $0x28000, s7  }
0x8: {  	s7 =	ssub.s32 $0x2, s7;
	s8 =	sor.u32 s8, s4;
	_ =	strace $0x80000053  }
0x9: {  	s4 =	sadd.s32 $0xC000, s6;
	s12 =	sadd.s32 s16, s6;
	s29 =	sshrl.u32 s7, $0x1  }
0xa: {  	s30 =	sshrl.u32 s11, $0x2;
	s11 =	sor.u32 $0x1C02, s31;
	s9 =	sadd.s32 s8, s6  }
0xb: {  	s10 =	sadd.s32 s10, s6;
	s13 =	ssub.s32 s7, s29;
	s5 =	sadd.s32 s5, s8  }
0xc: {  	s14 =	sadd.s32 s30, s2;
	s7 =	sadd.s32 $0x5C000, s12;
	s6 =	sadd.s32 $0x4000, s9  }
0xd: {  	s17 =	sadd.s32 $0x84000, s10;
	s8 =	smax.u32 s13, $0x1;
	s9 =	simm.s32 $0x2  }
0xe: {  	s10 =	simm.s32 $0x2000;
	s12 =	sshrl.u32 s14, $0x3;
	s13 =	simm.s32 $0x50  }
0xf: {  	s14 =	simm.s32 $0x4000;
	s16 =	sadd.s32 s16, s17;
	s17 =	simm.s32 $0x0  }
.LBB2_1:
0x10: {  	[tilespmem:s3], [sflag:$0x2] =	stream.linear.gather [hbm4b:s5+s3], $0x1F80, $0x38;
	[tilespmem:$0x1A800] =	vst v63  }
0x11: {  	_ =	swait.ge [sflag:s9], $0x1F80  }
0x12: {  	[sflag:s9] =	ssyncset.done $0x0  }
0x13: {  	[sflag:s9] =	ssyncadd.s32 $0xFFFFE080  }
0x14: {  	[tilespmem:s10], [sflag:$0x2] =	stream.linear.gather [hbm4b:s6+s3], $0x1F80, $0x38;
	[tilespmem:$0x1A800] =	vst v63  }
0x15: {  	_ =	swait.ge [sflag:s9], $0x1F80  }
0x16: {  	[sflag:s9] =	ssyncset.done $0x0  }
0x17: {  	[sflag:s9] =	ssyncadd.s32 $0xFFFFE080  }
0x18: {  	[spmem:s12], [sflag:s11] =	dma.local [hbm:s7], $0x2800  }
0x19: {  	_ =	swait.ge [sflag:s9], $0x2800  }
0x1a: {  	[sflag:s9] =	ssyncset.done $0x0  }
0x1b: {  	[sflag:s9] =	ssyncadd.s32 $0xFFFFD800  }
0x1c: {  	s18 =	simm.s32 $0x0;
	[bflag:$0x0] =	sbarrier.arrive $0xFFFF  }
0x1d: {  	[tilespmem:s14], [sflag:$0x1] =	stream.indirect.gather [hbm4b:s4+s13], $0x80, s18, s13, $0xb8;
	[tilespmem:$0x1A800] =	vst v63  }
0x1e: {  	_ =	swait.ge [sflag:s15], $0x2800  }
0x1f: {  	[sflag:s15] =	ssyncset.done $0x0  }
0x20: {  	s31 =	simm.s32 $0x2000;
	[sflag:s15] =	ssyncadd.s32 $0xFFFFD800  }
0x21: {  	[spmem:s2] =	stream.indirect.scatter.add.f32 [tilespmem:s14], [sflag:$0x2], $0x80, s31, s13, $0xb8;
	[tilespmem:$0x1A800] =	vst v63  }
0x22: {  	_ =	swait.ge [sflag:s9], $0x2800  }
0x23: {  	s19 =	simm.s32 $0x400;
	s18 =	simm.s32 $0x200;
	[sflag:s9] =	ssyncset.done $0x0  }
.LBB2_2:
0x24: {  	s20 =	sshra.s32 s18, $0x2  }
0x25: {  	[sflag:s9] =	ssyncadd.s32 $0xFFFFD800;
	s18 =	smov.u32 s19;
	s21 =	sadd.s32 $0x200, s19  }
0x26: {  	[tilespmem:s14], [sflag:$0x1] =	stream.indirect.gather [hbm4b:s4+s13], $0x80, s20, s13, $0xb8;
	[tilespmem:$0x1A800] =	vst v63  }
0x27: {  	p0 =	sne.s32 s19, $0x7C00;
	_ =	swait.ge [sflag:s15], $0x2800  }
.Ltmp0:
0x28: {  	[sflag:s15] =	ssyncset.done $0x0;
	(pc) =	sbr.rel @p0 .LBB2_2-.Ltmp0, $4  }
0x29: {  	s19 =	sadd.s32 $0x2000, s20;
	[sflag:s15] =	ssyncadd.s32 $0xFFFFD800  }
0x2a: {  	[spmem:s2] =	stream.indirect.scatter.add.f32 [tilespmem:s14], [sflag:$0x2], $0x80, s19, s13, $0xb8;
	[tilespmem:$0x1A800] =	vst v63  }
0x2b: {  	_ =	swait.ge [sflag:s9], $0x2800  }
0x2c: {  	s19 =	smov.u32 s21;
	[sflag:s9] =	ssyncset.done $0x0  }
0x2d: {  	s18 =	sshra.s32 s18, $0x2;
	[sflag:s9] =	ssyncadd.s32 $0xFFFFD800  }
0x2e: {  	[tilespmem:s14], [sflag:$0x1] =	stream.indirect.gather [hbm4b:s4+s13], $0x80, s18, s13, $0xb8;
	[tilespmem:$0x1A800] =	vst v63  }
0x2f: {  	_ =	swait.ge [sflag:s15], $0x2800  }
0x30: {  	[sflag:s15] =	ssyncset.done $0x0  }
0x31: {  	s18 =	sadd.s32 $0x2000, s18;
	[sflag:s15] =	ssyncadd.s32 $0xFFFFD800  }
0x32: {  	[spmem:s2] =	stream.indirect.scatter.add.f32 [tilespmem:s14], [sflag:$0x2], $0x80, s18, s13, $0xb8;
	[tilespmem:$0x1A800] =	vst v63  }
0x33: {  	_ =	swait.ge [sflag:s9], $0x2800  }
0x34: {  	s17 =	sadd.s32 $0x1, s17;
	[sflag:s9] =	ssyncset.done $0x0  }
0x35: {  	p0 =	sne.s32 s17, s8;
	[sflag:s9] =	ssyncadd.s32 $0xFFFFD800  }
.Ltmp1:
0x36: {  	[bflag:$0x0] =	sbarrier.arrive $0xFFFF;
	(pc) =	sbr.rel @p0 .LBB2_1-.Ltmp1, $4  }
0x37: {  	[hbm:s16], [sflag:s11] =	dma.local [spmem:s12], $0x2800  }
0x38: {  	_ =	swait.ge [sflag:s9], $0x2800  }
0x39: {  	[sflag:s9] =	ssyncset.done $0x0  }
0x3a: {  	[sflag:s9] =	ssyncadd.s32 $0xFFFFD800  }
0x3b: {  	_ =	sfence.sel $0x180000  }
0x3c: {  	[bflag:$0x0] =	sbarrier.arrive $0xFFFF  }
0x3d: {  	p0 =	sne.s32 s1, $0x0;
	_ =	strace $0x90000053  }
0x3e: {  	s0 =	sadd.s32 @!p0 $0x100000, s0;
	[bflag:$0x2] =	sbarrier.arrive $0xFFFF  }
0x3f: {  	[sflag:s0] =	ssyncadd.tile.s32 @!p0 $0x1;
	_ =	shalt  }
.Lfunc_end2:
_tile_overlayer_lowered:
.L_overlay_start_2:
0x40: {  	(tag) =	ssettag $0x2  }
0x41: {  	s0 =	rddreg [dreg:$0x0];
	s2 =	stileid.u32  }
0x42: {  	s1 =	rddreg [dreg:$0x1];
	p0 =	sne.s32 s2, $0x0  }
0x43: {  	s3 =	rddreg [dreg:$0x2];
	[bflag:$0x3] =	sbarrier.arrive $0xFFFF;
	s2 =	simm.s32 @!p0 $0x1C02  }
0x44: {  	[timem:s3], [sflag:s2] =	dma.local @!p0 [hbm:s0], s1  }
0x45: {  	s0 =	simm.s32 @!p0 $0x2  }
0x46: {  	_ =	swait.ge @!p0 [sflag:s0], s1  }
0x47: {  	s1 =	ssub.s32 @!p0 $0x0, s1;
	[sflag:s0] =	ssyncset.done @!p0 $0x0  }
0x48: {  	[sflag:s0] =	ssyncadd.s32 @!p0 s1  }
0x49: {  	[bflag:$0x3] =	sbarrier.arrive $0xFFFF  }
0x4a: {  	_ =	shalt  }

</sc_bundles>
